<compile_context>
chip_gen: v7x
topology: tpu7x:2x2x1
jax: 0.10.2.dev20260603
libtpu: 0.0.44.dev20260713+nightly
codegen_flags: <defaults>
</compile_context>

<pallas_src>
import functools

import jax
import jax.numpy as jnp
from jax import lax
from jax.experimental import pallas as pl
from jax.experimental.pallas import tpu as pltpu
from jax.experimental.pallas import tpu_sc as plsc

NE = 8192
ED = 32
NB = 512
EC = 1024
BATCH = 8
HW = 64 * 64
NTOK = BATCH * HW
BETA = 0.25


def _prep_body(e_ref, ep_ref, en_ref):
    e = e_ref[...]
    ep_ref[...] = -2.0 * e
    en_ref[...] = jnp.sum(e * e, axis=1, keepdims=True)


def _prep(emb):
    return pl.pallas_call(
        _prep_body,
        out_shape=[jax.ShapeDtypeStruct((NE, ED), jnp.float32),
                   jax.ShapeDtypeStruct((NE, 1), jnp.float32)],
    )(emb)


def _argmin_body(x_ref, ep_ref, en_ref, idx_ref, da_ref, db_ref):
    xb = x_ref[0]
    for d_ref, lo in ((da_ref, 0), (db_ref, NB)):
        xh = xb[:, lo:lo + NB]
        for c in range(NE // EC):
            e_chunk = ep_ref[pl.ds(c * EC, EC), :]
            sim = lax.dot_general(e_chunk, xh, (((1,), (0,)), ((), ())),
                                  preferred_element_type=jnp.float32)
            d_ref[pl.ds(c * EC, EC), :] = en_ref[pl.ds(c * EC, EC), :] + sim

    ia = jnp.argmin(da_ref[...], axis=0)
    ib = jnp.argmin(db_ref[...], axis=0)
    idx_ref[0] = jnp.concatenate([ia, ib])[None, :]


def _compute_indices(xr, emb):
    ep, en = _prep(emb)
    grid = (BATCH, HW // (2 * NB))
    idx3 = pl.pallas_call(
        _argmin_body,
        grid=grid,
        in_specs=[
            pl.BlockSpec((1, ED, 2 * NB), lambda b, n: (b, 0, n)),
            pl.BlockSpec((NE, ED), lambda b, n: (0, 0)),
            pl.BlockSpec((NE, 1), lambda b, n: (0, 0)),
        ],
        out_specs=pl.BlockSpec((1, 1, 2 * NB),
                               lambda b, n: (b * (HW // (2 * NB)) + n, 0, 0)),
        out_shape=jax.ShapeDtypeStruct((NTOK // (2 * NB), 1, 2 * NB), jnp.int32),
        scratch_shapes=[pltpu.VMEM((NE, NB), jnp.float32),
                        pltpu.VMEM((NE, NB), jnp.float32)],
    )(xr, ep, en)
    return idx3.reshape(NTOK)


def _gather_channels(et, xr, idx):
    mesh = plsc.VectorSubcoreMesh(core_axis_name="c", subcore_axis_name="s")

    @functools.partial(
        pl.kernel,
        mesh=mesh,
        out_type=[jax.ShapeDtypeStruct((BATCH, ED, HW), jnp.float32),
                  jax.ShapeDtypeStruct((ED, 16), jnp.float32)],
        scratch_types=[
            pltpu.VMEM((NTOK,), jnp.int32),
            pltpu.VMEM((NE,), jnp.float32),
            pltpu.VMEM((BATCH, HW), jnp.float32),
            pltpu.VMEM((BATCH, HW), jnp.float32),
            pltpu.VMEM((16,), jnp.float32),
            pltpu.SemaphoreType.DMA,
            pltpu.SemaphoreType.DMA,
            pltpu.SemaphoreType.DMA,
        ],
        compiler_params=pltpu.CompilerParams(needs_layout_passes=False),
    )
    def k(et_hbm, xr_hbm, idx_hbm, out_hbm, lossp_hbm,
          idx_v, row_v, out_v, xr_v, acc_v, sem_i, sem_r, sem_x):
        wid = lax.axis_index("s") * 2 + lax.axis_index("c")
        cp_i = pltpu.async_copy(idx_hbm, idx_v, sem_i)
        cp_r = pltpu.async_copy(et_hbm.at[wid], row_v, sem_r)
        cp_x = pltpu.async_copy(xr_hbm.at[:, wid], xr_v, sem_x)
        cp_i.wait()
        cp_r.wait()
        cp_x.wait()
        acc = jnp.zeros((16,), jnp.float32)
        for b in range(BATCH):
            def body(i, a):
                for u in range(8):
                    s = i * 128 + u * 16
                    g = plsc.load_gather(row_v, [idx_v[pl.ds(b * HW + s, 16)]])
                    out_v[b, pl.ds(s, 16)] = g
                    dv = g - xr_v[b, pl.ds(s, 16)]
                    a = a + dv * dv
                return a

            acc = lax.fori_loop(0, HW // 128, body, acc)
        acc_v[...] = acc
        pltpu.sync_copy(out_v, out_hbm.at[:, wid])
        pltpu.sync_copy(acc_v, lossp_hbm.at[wid])

    return k(et, xr, idx)


def _loss_body(lp_ref, loss_ref):
    loss_ref[...] = (jnp.sum(lp_ref[...]) *
                     ((1.0 + BETA) / (NTOK * ED)))[None, None]


def _finish_loss(lossp):
    loss = pl.pallas_call(
        _loss_body,
        out_shape=jax.ShapeDtypeStruct((1, 1), jnp.float32),
    )(lossp)
    return loss.reshape(())


def kernel(x, embedding):
    xr = x.reshape(BATCH, ED, HW)
    idx = _compute_indices(xr, embedding)
    et = embedding.T
    xq, lossp = _gather_channels(et, xr, idx)
    loss = _finish_loss(lossp)
    return xq.reshape(x.shape), loss

# --- scband reference (transcript-rebuilt; emitter-appended) ---
"""Pipeline reference for scband-vector-quantizer-69690139345403 (READ-ONLY COPY).

The authoritative reference and input builder live on the scoring server;
editing this copy changes nothing except your own understanding.
"""

import jax, jax.numpy as jnp
import numpy as np

NUM_EMBEDDINGS = 8192
EMBEDDING_DIM = 32
BETA = 0.25


def setup_inputs(seed: int = 0) -> dict:
    key = jax.random.key(seed)
    k1, k2 = jax.random.split(key)
    x = jax.random.normal(k1, (8, 32, 64, 64), dtype=jnp.float32)
    embedding = jax.random.uniform(
        k2, (NUM_EMBEDDINGS, EMBEDDING_DIM), dtype=jnp.float32,
        minval=-1.0 / NUM_EMBEDDINGS, maxval=1.0 / EMBEDDING_DIM)
    return {"x": x, "embedding": embedding}


def code_indices(x_flat, embedding):
    similarity = jnp.matmul(x_flat, embedding.T)
    d = (jnp.sum(x_flat ** 2, axis=1, keepdims=True)
         + jnp.sum(embedding ** 2, axis=1)
         - 2.0 * similarity)
    return jnp.argmin(d, axis=1)


def reference(x, embedding):
    # x: [B, C, H, W] -> [B, H, W, C]
    xp = jnp.transpose(x, (0, 2, 3, 1))
    x_flat = xp.reshape(-1, EMBEDDING_DIM)
    min_d = code_indices(x_flat, embedding)
    one_hot = jax.nn.one_hot(min_d, NUM_EMBEDDINGS, dtype=embedding.dtype)
    x_q = jnp.matmul(one_hot, embedding).reshape(xp.shape)
    loss = (jnp.mean((jax.lax.stop_gradient(x_q) - xp) ** 2)
            + BETA * jnp.mean((x_q - jax.lax.stop_gradient(xp)) ** 2))
    x_q = xp + jax.lax.stop_gradient(x_q - xp)
    x_q = jnp.transpose(x_q, (0, 3, 1, 2))
    return (x_q, loss)

if __name__ == "__main__":
    import jax
    _d = setup_inputs()
    print(jax.jit(kernel)(*tuple(_d.values())))

</pallas_src>

<mosaic_0001>
#map = affine_map<(d0, d1) -> (0, 0)>
#map1 = affine_map<(d0, d1) -> (0, 0, 0)>
#map2 = affine_map<(d0, d1) -> (0)>
module attributes {stable_mosaic.version = 14 : i64} {
  func.func @k(%arg0: i32, %arg1: i32, %arg2: memref<32x8192xf32, #tpu.memory_space<hbm>>, %arg3: memref<8x32x4096xf32, #tpu.memory_space<hbm>>, %arg4: memref<32768xi32, #tpu.memory_space<hbm>>, %arg5: memref<8x32x4096xf32, #tpu.memory_space<hbm>>, %arg6: memref<32x16xf32, #tpu.memory_space<hbm>>, %arg7: memref<32768xi32, #tpu.memory_space<vmem>>, %arg8: memref<8192xf32, #tpu.memory_space<vmem>>, %arg9: memref<8x4096xf32, #tpu.memory_space<vmem>>, %arg10: memref<8x4096xf32, #tpu.memory_space<vmem>>, %arg11: memref<16xf32, #tpu.memory_space<vmem>>, %arg12: memref<!tpu.dma_semaphore, #tpu.memory_space<semaphore_mem>>, %arg13: memref<!tpu.dma_semaphore, #tpu.memory_space<semaphore_mem>>, %arg14: memref<!tpu.dma_semaphore, #tpu.memory_space<semaphore_mem>>) attributes {dimension_semantics = [#tpu.dimension_semantics<core_parallel>, #tpu.dimension_semantics<subcore_parallel>], iteration_bounds = array<i64: 2, 16>, scalar_prefetch = 0 : i64, scratch_operands = 8 : i64, tpu.core_type = #tpu.core_type<sc_vector_subcore>, window_params = [{transform_indices = #map}, {transform_indices = #map1}, {transform_indices = #map2}, {transform_indices = #map1}, {transform_indices = #map}]} {
    %mul3A = arith.constant 2 : i32
    %mul3A_0 = arith.muli %arg1, %mul3A : i32
    %add3A = arith.addi %mul3A_0, %arg0 : i32
    tpu.enqueue_dma source(%arg4 : memref<32768xi32, #tpu.memory_space<hbm>>) target(%arg7 : memref<32768xi32, #tpu.memory_space<vmem>>) target_semaphore(%arg12 : memref<!tpu.dma_semaphore, #tpu.memory_space<semaphore_mem>>)
    %dma_start3A = arith.constant 0 : i32
    %dma_start3A_1 = tpu.memref_slice %arg2[%add3A, %dma_start3A] : memref<32x8192xf32, #tpu.memory_space<hbm>> -> memref<1x8192xf32, #tpu.memory_space<hbm>>
    %dma_start3A_2 = tpu.memref_squeeze %dma_start3A_1 : memref<1x8192xf32, #tpu.memory_space<hbm>> -> memref<8192xf32, #tpu.memory_space<hbm>>
    %dma_start3A_3 = arith.constant 0 : i32
    %dma_start3A_4 = tpu.memref_slice %arg2[%add3A, %dma_start3A_3] : memref<32x8192xf32, #tpu.memory_space<hbm>> -> memref<1x8192xf32, #tpu.memory_space<hbm>>
    %dma_start3A_5 = tpu.memref_squeeze %dma_start3A_4 : memref<1x8192xf32, #tpu.memory_space<hbm>> -> memref<8192xf32, #tpu.memory_space<hbm>>
    tpu.enqueue_dma source(%dma_start3A_5 : memref<8192xf32, #tpu.memory_space<hbm>>) target(%arg8 : memref<8192xf32, #tpu.memory_space<vmem>>) target_semaphore(%arg13 : memref<!tpu.dma_semaphore, #tpu.memory_space<semaphore_mem>>)
    %dma_start3A_6 = arith.constant 0 : i32
    %dma_start3A_7 = arith.constant 0 : i32
    %dma_start3A_8 = tpu.memref_slice %arg3[%dma_start3A_6, %add3A, %dma_start3A_7] : memref<8x32x4096xf32, #tpu.memory_space<hbm>> -> memref<8x1x4096xf32, #tpu.memory_space<hbm>>
    %dma_start3A_9 = tpu.memref_squeeze %dma_start3A_8 : memref<8x1x4096xf32, #tpu.memory_space<hbm>> -> memref<8x4096xf32, #tpu.memory_space<hbm>>
    %dma_start3A_10 = arith.constant 0 : i32
    %dma_start3A_11 = arith.constant 0 : i32
    %dma_start3A_12 = tpu.memref_slice %arg3[%dma_start3A_10, %add3A, %dma_start3A_11] : memref<8x32x4096xf32, #tpu.memory_space<hbm>> -> memref<8x1x4096xf32, #tpu.memory_space<hbm>>
    %dma_start3A_13 = tpu.memref_squeeze %dma_start3A_12 : memref<8x1x4096xf32, #tpu.memory_space<hbm>> -> memref<8x4096xf32, #tpu.memory_space<hbm>>
    tpu.enqueue_dma source(%dma_start3A_13 : memref<8x4096xf32, #tpu.memory_space<hbm>>) target(%arg10 : memref<8x4096xf32, #tpu.memory_space<vmem>>) target_semaphore(%arg14 : memref<!tpu.dma_semaphore, #tpu.memory_space<semaphore_mem>>)
    tpu.wait_dma2 semaphore(%arg12 : memref<!tpu.dma_semaphore, #tpu.memory_space<semaphore_mem>>) src(%arg4 : memref<32768xi32, #tpu.memory_space<hbm>>) dst(%arg7 : memref<32768xi32, #tpu.memory_space<vmem>>)
    %dma_wait3A = arith.constant 0 : i32
    %dma_wait3A_14 = tpu.memref_slice %arg2[%add3A, %dma_wait3A] : memref<32x8192xf32, #tpu.memory_space<hbm>> -> memref<1x8192xf32, #tpu.memory_space<hbm>>
    %dma_wait3A_15 = tpu.memref_squeeze %dma_wait3A_14 : memref<1x8192xf32, #tpu.memory_space<hbm>> -> memref<8192xf32, #tpu.memory_space<hbm>>
    %dma_wait3A_16 = arith.constant 0 : i32
    %dma_wait3A_17 = tpu.memref_slice %arg2[%add3A, %dma_wait3A_16] : memref<32x8192xf32, #tpu.memory_space<hbm>> -> memref<1x8192xf32, #tpu.memory_space<hbm>>
    %dma_wait3A_18 = tpu.memref_squeeze %dma_wait3A_17 : memref<1x8192xf32, #tpu.memory_space<hbm>> -> memref<8192xf32, #tpu.memory_space<hbm>>
    tpu.wait_dma2 semaphore(%arg13 : memref<!tpu.dma_semaphore, #tpu.memory_space<semaphore_mem>>) src(%dma_wait3A_18 : memref<8192xf32, #tpu.memory_space<hbm>>) dst(%arg8 : memref<8192xf32, #tpu.memory_space<vmem>>)
    %dma_wait3A_19 = arith.constant 0 : i32
    %dma_wait3A_20 = arith.constant 0 : i32
    %dma_wait3A_21 = tpu.memref_slice %arg3[%dma_wait3A_19, %add3A, %dma_wait3A_20] : memref<8x32x4096xf32, #tpu.memory_space<hbm>> -> memref<8x1x4096xf32, #tpu.memory_space<hbm>>
    %dma_wait3A_22 = tpu.memref_squeeze %dma_wait3A_21 : memref<8x1x4096xf32, #tpu.memory_space<hbm>> -> memref<8x4096xf32, #tpu.memory_space<hbm>>
    %dma_wait3A_23 = arith.constant 0 : i32
    %dma_wait3A_24 = arith.constant 0 : i32
    %dma_wait3A_25 = tpu.memref_slice %arg3[%dma_wait3A_23, %add3A, %dma_wait3A_24] : memref<8x32x4096xf32, #tpu.memory_space<hbm>> -> memref<8x1x4096xf32, #tpu.memory_space<hbm>>
    %dma_wait3A_26 = tpu.memref_squeeze %dma_wait3A_25 : memref<8x1x4096xf32, #tpu.memory_space<hbm>> -> memref<8x4096xf32, #tpu.memory_space<hbm>>
    tpu.wait_dma2 semaphore(%arg14 : memref<!tpu.dma_semaphore, #tpu.memory_space<semaphore_mem>>) src(%dma_wait3A_26 : memref<8x4096xf32, #tpu.memory_space<hbm>>) dst(%arg10 : memref<8x4096xf32, #tpu.memory_space<vmem>>)
    %broadcast_in_dim3A = arith.constant 0.000000e+00 : f32
    %broadcast_in_dim3A_27 = vector.broadcast %broadcast_in_dim3A : f32 to vector<16xf32>
    %scan3A = arith.constant 0 : i32
    %scan3A_28 = arith.constant 32 : i32
    %scan3A_29 = arith.addi %scan3A, %scan3A_28 : i32
    %scan3A_30 = arith.constant 1 : i32
    %scan3A_31 = scf.for %scan3A_76 = %scan3A to %scan3A_29 step %scan3A_30 iter_args(%scan3A_77 = %broadcast_in_dim3A_27) -> (vector<16xf32>)  : i32 {
      %mul3A_78 = arith.constant 128 : i32
      %mul3A_79 = arith.muli %scan3A_76, %mul3A_78 : i32
      %add3A_80 = arith.constant 0 : i32
      %add3A_81 = arith.addi %mul3A_79, %add3A_80 : i32
      %add3A_82 = arith.constant 0 : i32
      %add3A_83 = arith.addi %add3A_82, %add3A_81 : i32
      %get3A = arith.index_cast %add3A_83 : i32 to index
      %get3A_84 = tpu.vector_load %arg7[%get3A] {strides = array<i32>} : memref<32768xi32, #tpu.memory_space<vmem>>, vector<16xi32>,
      %gather3A = tpu.vector_load_idx %arg8[%get3A_84] : memref<8192xf32, #tpu.memory_space<vmem>>[vector<16xi32>], vector<16xf32>,
      %swap3A_85 = arith.constant 0 : i32
      %swap3A_86 = arith.index_cast %swap3A_85 : i32 to index
      %swap3A_87 = arith.index_cast %add3A_81 : i32 to index
      %swap3A_88 = tpu.vector_load %arg9[%swap3A_86, %swap3A_87] {strides = array<i32>} : memref<8x4096xf32, #tpu.memory_space<vmem>>, vector<16xf32>,
      tpu.vector_store %arg9[%swap3A_86, %swap3A_87], %gather3A {strides = array<i32>} : memref<8x4096xf32, #tpu.memory_space<vmem>>, vector<16xf32>,
      %get3A_89 = arith.constant 0 : i32
      %get3A_90 = arith.index_cast %get3A_89 : i32 to index
      %get3A_91 = arith.index_cast %add3A_81 : i32 to index
      %get3A_92 = tpu.vector_load %arg10[%get3A_90, %get3A_91] {strides = array<i32>} : memref<8x4096xf32, #tpu.memory_space<vmem>>, vector<16xf32>,
      %sub3A = arith.subf %gather3A, %get3A_92 : vector<16xf32>
      %mul3A_93 = arith.mulf %sub3A, %sub3A : vector<16xf32>
      %add3A_94 = arith.addf %scan3A_77, %mul3A_93 : vector<16xf32>
      %mul3A_95 = arith.constant 128 : i32
      %mul3A_96 = arith.muli %scan3A_76, %mul3A_95 : i32
      %add3A_97 = arith.constant 16 : i32
      %add3A_98 = arith.addi %mul3A_96, %add3A_97 : i32
      %add3A_99 = arith.constant 0 : i32
      %add3A_100 = arith.addi %add3A_99, %add3A_98 : i32
      %get3A_101 = arith.index_cast %add3A_100 : i32 to index
      %get3A_102 = tpu.vector_load %arg7[%get3A_101] {strides = array<i32>} : memref<32768xi32, #tpu.memory_space<vmem>>, vector<16xi32>,
      %gather3A_103 = tpu.vector_load_idx %arg8[%get3A_102] : memref<8192xf32, #tpu.memory_space<vmem>>[vector<16xi32>], vector<16xf32>,
      %swap3A_104 = arith.constant 0 : i32
      %swap3A_105 = arith.index_cast %swap3A_104 : i32 to index
      %swap3A_106 = arith.index_cast %add3A_98 : i32 to index
      %swap3A_107 = tpu.vector_load %arg9[%swap3A_105, %swap3A_106] {strides = array<i32>} : memref<8x4096xf32, #tpu.memory_space<vmem>>, vector<16xf32>,
      tpu.vector_store %arg9[%swap3A_105, %swap3A_106], %gather3A_103 {strides = array<i32>} : memref<8x4096xf32, #tpu.memory_space<vmem>>, vector<16xf32>,
      %get3A_108 = arith.constant 0 : i32
      %get3A_109 = arith.index_cast %get3A_108 : i32 to index
      %get3A_110 = arith.index_cast %add3A_98 : i32 to index
      %get3A_111 = tpu.vector_load %arg10[%get3A_109, %get3A_110] {strides = array<i32>} : memref<8x4096xf32, #tpu.memory_space<vmem>>, vector<16xf32>,
      %sub3A_112 = arith.subf %gather3A_103, %get3A_111 : vector<16xf32>
      %mul3A_113 = arith.mulf %sub3A_112, %sub3A_112 : vector<16xf32>
      %add3A_114 = arith.addf %add3A_94, %mul3A_113 : vector<16xf32>
      %mul3A_115 = arith.constant 128 : i32
      %mul3A_116 = arith.muli %scan3A_76, %mul3A_115 : i32
      %add3A_117 = arith.constant 32 : i32
      %add3A_118 = arith.addi %mul3A_116, %add3A_117 : i32
      %add3A_119 = arith.constant 0 : i32
      %add3A_120 = arith.addi %add3A_119, %add3A_118 : i32
      %get3A_121 = arith.index_cast %add3A_120 : i32 to index
      %get3A_122 = tpu.vector_load %arg7[%get3A_121] {strides = array<i32>} : memref<32768xi32, #tpu.memory_space<vmem>>, vector<16xi32>,
      %gather3A_123 = tpu.vector_load_idx %arg8[%get3A_122] : memref<8192xf32, #tpu.memory_space<vmem>>[vector<16xi32>], vector<16xf32>,
      %swap3A_124 = arith.constant 0 : i32
      %swap3A_125 = arith.index_cast %swap3A_124 : i32 to index
      %swap3A_126 = arith.index_cast %add3A_118 : i32 to index
      %swap3A_127 = tpu.vector_load %arg9[%swap3A_125, %swap3A_126] {strides = array<i32>} : memref<8x4096xf32, #tpu.memory_space<vmem>>, vector<16xf32>,
      tpu.vector_store %arg9[%swap3A_125, %swap3A_126], %gather3A_123 {strides = array<i32>} : memref<8x4096xf32, #tpu.memory_space<vmem>>, vector<16xf32>,
      %get3A_128 = arith.constant 0 : i32
      %get3A_129 = arith.index_cast %get3A_128 : i32 to index
      %get3A_130 = arith.index_cast %add3A_118 : i32 to index
      %get3A_131 = tpu.vector_load %arg10[%get3A_129, %get3A_130] {strides = array<i32>} : memref<8x4096xf32, #tpu.memory_space<vmem>>, vector<16xf32>,
      %sub3A_132 = arith.subf %gather3A_123, %get3A_131 : vector<16xf32>
      %mul3A_133 = arith.mulf %sub3A_132, %sub3A_132 : vector<16xf32>
      %add3A_134 = arith.addf %add3A_114, %mul3A_133 : vector<16xf32>
      %mul3A_135 = arith.constant 128 : i32
      %mul3A_136 = arith.muli %scan3A_76, %mul3A_135 : i32
      %add3A_137 = arith.constant 48 : i32
      %add3A_138 = arith.addi %mul3A_136, %add3A_137 : i32
      %add3A_139 = arith.constant 0 : i32
      %add3A_140 = arith.addi %add3A_139, %add3A_138 : i32
      %get3A_141 = arith.index_cast %add3A_140 : i32 to index
      %get3A_142 = tpu.vector_load %arg7[%get3A_141] {strides = array<i32>} : memref<32768xi32, #tpu.memory_space<vmem>>, vector<16xi32>,
      %gather3A_143 = tpu.vector_load_idx %arg8[%get3A_142] : memref<8192xf32, #tpu.memory_space<vmem>>[vector<16xi32>], vector<16xf32>,
      %swap3A_144 = arith.constant 0 : i32
      %swap3A_145 = arith.index_cast %swap3A_144 : i32 to index
      %swap3A_146 = arith.index_cast %add3A_138 : i32 to index
      %swap3A_147 = tpu.vector_load %arg9[%swap3A_145, %swap3A_146] {strides = array<i32>} : memref<8x4096xf32, #tpu.memory_space<vmem>>, vector<16xf32>,
      tpu.vector_store %arg9[%swap3A_145, %swap3A_146], %gather3A_143 {strides = array<i32>} : memref<8x4096xf32, #tpu.memory_space<vmem>>, vector<16xf32>,
      %get3A_148 = arith.constant 0 : i32
      %get3A_149 = arith.index_cast %get3A_148 : i32 to index
      %get3A_150 = arith.index_cast %add3A_138 : i32 to index
      %get3A_151 = tpu.vector_load %arg10[%get3A_149, %get3A_150] {strides = array<i32>} : memref<8x4096xf32, #tpu.memory_space<vmem>>, vector<16xf32>,
      %sub3A_152 = arith.subf %gather3A_143, %get3A_151 : vector<16xf32>
      %mul3A_153 = arith.mulf %sub3A_152, %sub3A_152 : vector<16xf32>
      %add3A_154 = arith.addf %add3A_134, %mul3A_153 : vector<16xf32>
      %mul3A_155 = arith.constant 128 : i32
      %mul3A_156 = arith.muli %scan3A_76, %mul3A_155 : i32
      %add3A_157 = arith.constant 64 : i32
      %add3A_158 = arith.addi %mul3A_156, %add3A_157 : i32
      %add3A_159 = arith.constant 0 : i32
      %add3A_160 = arith.addi %add3A_159, %add3A_158 : i32
      %get3A_161 = arith.index_cast %add3A_160 : i32 to index
      %get3A_162 = tpu.vector_load %arg7[%get3A_161] {strides = array<i32>} : memref<32768xi32, #tpu.memory_space<vmem>>, vector<16xi32>,
      %gather3A_163 = tpu.vector_load_idx %arg8[%get3A_162] : memref<8192xf32, #tpu.memory_space<vmem>>[vector<16xi32>], vector<16xf32>,
      %swap3A_164 = arith.constant 0 : i32
      %swap3A_165 = arith.index_cast %swap3A_164 : i32 to index
      %swap3A_166 = arith.index_cast %add3A_158 : i32 to index
      %swap3A_167 = tpu.vector_load %arg9[%swap3A_165, %swap3A_166] {strides = array<i32>} : memref<8x4096xf32, #tpu.memory_space<vmem>>, vector<16xf32>,
      tpu.vector_store %arg9[%swap3A_165, %swap3A_166], %gather3A_163 {strides = array<i32>} : memref<8x4096xf32, #tpu.memory_space<vmem>>, vector<16xf32>,
      %get3A_168 = arith.constant 0 : i32
      %get3A_169 = arith.index_cast %get3A_168 : i32 to index
      %get3A_170 = arith.index_cast %add3A_158 : i32 to index
      %get3A_171 = tpu.vector_load %arg10[%get3A_169, %get3A_170] {strides = array<i32>} : memref<8x4096xf32, #tpu.memory_space<vmem>>, vector<16xf32>,
      %sub3A_172 = arith.subf %gather3A_163, %get3A_171 : vector<16xf32>
      %mul3A_173 = arith.mulf %sub3A_172, %sub3A_172 : vector<16xf32>
      %add3A_174 = arith.addf %add3A_154, %mul3A_173 : vector<16xf32>
      %mul3A_175 = arith.constant 128 : i32
      %mul3A_176 = arith.muli %scan3A_76, %mul3A_175 : i32
      %add3A_177 = arith.constant 80 : i32
      %add3A_178 = arith.addi %mul3A_176, %add3A_177 : i32
      %add3A_179 = arith.constant 0 : i32
      %add3A_180 = arith.addi %add3A_179, %add3A_178 : i32
      %get3A_181 = arith.index_cast %add3A_180 : i32 to index
      %get3A_182 = tpu.vector_load %arg7[%get3A_181] {strides = array<i32>} : memref<32768xi32, #tpu.memory_space<vmem>>, vector<16xi32>,
      %gather3A_183 = tpu.vector_load_idx %arg8[%get3A_182] : memref<8192xf32, #tpu.memory_space<vmem>>[vector<16xi32>], vector<16xf32>,
      %swap3A_184 = arith.constant 0 : i32
      %swap3A_185 = arith.index_cast %swap3A_184 : i32 to index
      %swap3A_186 = arith.index_cast %add3A_178 : i32 to index
      %swap3A_187 = tpu.vector_load %arg9[%swap3A_185, %swap3A_186] {strides = array<i32>} : memref<8x4096xf32, #tpu.memory_space<vmem>>, vector<16xf32>,
      tpu.vector_store %arg9[%swap3A_185, %swap3A_186], %gather3A_183 {strides = array<i32>} : memref<8x4096xf32, #tpu.memory_space<vmem>>, vector<16xf32>,
      %get3A_188 = arith.constant 0 : i32
      %get3A_189 = arith.index_cast %get3A_188 : i32 to index
      %get3A_190 = arith.index_cast %add3A_178 : i32 to index
      %get3A_191 = tpu.vector_load %arg10[%get3A_189, %get3A_190] {strides = array<i32>} : memref<8x4096xf32, #tpu.memory_space<vmem>>, vector<16xf32>,
      %sub3A_192 = arith.subf %gather3A_183, %get3A_191 : vector<16xf32>
      %mul3A_193 = arith.mulf %sub3A_192, %sub3A_192 : vector<16xf32>
      %add3A_194 = arith.addf %add3A_174, %mul3A_193 : vector<16xf32>
      %mul3A_195 = arith.constant 128 : i32
      %mul3A_196 = arith.muli %scan3A_76, %mul3A_195 : i32
      %add3A_197 = arith.constant 96 : i32
      %add3A_198 = arith.addi %mul3A_196, %add3A_197 : i32
      %add3A_199 = arith.constant 0 : i32
      %add3A_200 = arith.addi %add3A_199, %add3A_198 : i32
      %get3A_201 = arith.index_cast %add3A_200 : i32 to index
      %get3A_202 = tpu.vector_load %arg7[%get3A_201] {strides = array<i32>} : memref<32768xi32, #tpu.memory_space<vmem>>, vector<16xi32>,
      %gather3A_203 = tpu.vector_load_idx %arg8[%get3A_202] : memref<8192xf32, #tpu.memory_space<vmem>>[vector<16xi32>], vector<16xf32>,
      %swap3A_204 = arith.constant 0 : i32
      %swap3A_205 = arith.index_cast %swap3A_204 : i32 to index
      %swap3A_206 = arith.index_cast %add3A_198 : i32 to index
      %swap3A_207 = tpu.vector_load %arg9[%swap3A_205, %swap3A_206] {strides = array<i32>} : memref<8x4096xf32, #tpu.memory_space<vmem>>, vector<16xf32>,
      tpu.vector_store %arg9[%swap3A_205, %swap3A_206], %gather3A_203 {strides = array<i32>} : memref<8x4096xf32, #tpu.memory_space<vmem>>, vector<16xf32>,
      %get3A_208 = arith.constant 0 : i32
      %get3A_209 = arith.index_cast %get3A_208 : i32 to index
      %get3A_210 = arith.index_cast %add3A_198 : i32 to index
      %get3A_211 = tpu.vector_load %arg10[%get3A_209, %get3A_210] {strides = array<i32>} : memref<8x4096xf32, #tpu.memory_space<vmem>>, vector<16xf32>,
      %sub3A_212 = arith.subf %gather3A_203, %get3A_211 : vector<16xf32>
      %mul3A_213 = arith.mulf %sub3A_212, %sub3A_212 : vector<16xf32>
      %add3A_214 = arith.addf %add3A_194, %mul3A_213 : vector<16xf32>
      %mul3A_215 = arith.constant 128 : i32
      %mul3A_216 = arith.muli %scan3A_76, %mul3A_215 : i32
      %add3A_217 = arith.constant 112 : i32
      %add3A_218 = arith.addi %mul3A_216, %add3A_217 : i32
      %add3A_219 = arith.constant 0 : i32
      %add3A_220 = arith.addi %add3A_219, %add3A_218 : i32
      %get3A_221 = arith.index_cast %add3A_220 : i32 to index
      %get3A_222 = tpu.vector_load %arg7[%get3A_221] {strides = array<i32>} : memref<32768xi32, #tpu.memory_space<vmem>>, vector<16xi32>,
      %gather3A_223 = tpu.vector_load_idx %arg8[%get3A_222] : memref<8192xf32, #tpu.memory_space<vmem>>[vector<16xi32>], vector<16xf32>,
      %swap3A_224 = arith.constant 0 : i32
      %swap3A_225 = arith.index_cast %swap3A_224 : i32 to index
      %swap3A_226 = arith.index_cast %add3A_218 : i32 to index
      %swap3A_227 = tpu.vector_load %arg9[%swap3A_225, %swap3A_226] {strides = array<i32>} : memref<8x4096xf32, #tpu.memory_space<vmem>>, vector<16xf32>,
      tpu.vector_store %arg9[%swap3A_225, %swap3A_226], %gather3A_223 {strides = array<i32>} : memref<8x4096xf32, #tpu.memory_space<vmem>>, vector<16xf32>,
      %get3A_228 = arith.constant 0 : i32
      %get3A_229 = arith.index_cast %get3A_228 : i32 to index
      %get3A_230 = arith.index_cast %add3A_218 : i32 to index
      %get3A_231 = tpu.vector_load %arg10[%get3A_229, %get3A_230] {strides = array<i32>} : memref<8x4096xf32, #tpu.memory_space<vmem>>, vector<16xf32>,
      %sub3A_232 = arith.subf %gather3A_223, %get3A_231 : vector<16xf32>
      %mul3A_233 = arith.mulf %sub3A_232, %sub3A_232 : vector<16xf32>
      %add3A_234 = arith.addf %add3A_214, %mul3A_233 : vector<16xf32>
      scf.yield %add3A_234 : vector<16xf32>
    }
    %scan3A_32 = arith.constant 32 : i32
    %scan3A_33 = arith.constant 0 : i32
    %scan3A_34 = arith.constant 32 : i32
    %scan3A_35 = arith.addi %scan3A_33, %scan3A_34 : i32
    %scan3A_36 = arith.constant 1 : i32
    %scan3A_37 = scf.for %scan3A_76 = %scan3A_33 to %scan3A_35 step %scan3A_36 iter_args(%scan3A_77 = %scan3A_31) -> (vector<16xf32>)  : i32 {
      %mul3A_78 = arith.constant 128 : i32
      %mul3A_79 = arith.muli %scan3A_76, %mul3A_78 : i32
      %add3A_80 = arith.constant 0 : i32
      %add3A_81 = arith.addi %mul3A_79, %add3A_80 : i32
      %add3A_82 = arith.constant 4096 : i32
      %add3A_83 = arith.addi %add3A_82, %add3A_81 : i32
      %get3A = arith.index_cast %add3A_83 : i32 to index
      %get3A_84 = tpu.vector_load %arg7[%get3A] {strides = array<i32>} : memref<32768xi32, #tpu.memory_space<vmem>>, vector<16xi32>,
      %gather3A = tpu.vector_load_idx %arg8[%get3A_84] : memref<8192xf32, #tpu.memory_space<vmem>>[vector<16xi32>], vector<16xf32>,
      %swap3A_85 = arith.constant 1 : i32
      %swap3A_86 = arith.index_cast %swap3A_85 : i32 to index
      %swap3A_87 = arith.index_cast %add3A_81 : i32 to index
      %swap3A_88 = tpu.vector_load %arg9[%swap3A_86, %swap3A_87] {strides = array<i32>} : memref<8x4096xf32, #tpu.memory_space<vmem>>, vector<16xf32>,
      tpu.vector_store %arg9[%swap3A_86, %swap3A_87], %gather3A {strides = array<i32>} : memref<8x4096xf32, #tpu.memory_space<vmem>>, vector<16xf32>,
      %get3A_89 = arith.constant 1 : i32
      %get3A_90 = arith.index_cast %get3A_89 : i32 to index
      %get3A_91 = arith.index_cast %add3A_81 : i32 to index
      %get3A_92 = tpu.vector_load %arg10[%get3A_90, %get3A_91] {strides = array<i32>} : memref<8x4096xf32, #tpu.memory_space<vmem>>, vector<16xf32>,
      %sub3A = arith.subf %gather3A, %get3A_92 : vector<16xf32>
      %mul3A_93 = arith.mulf %sub3A, %sub3A : vector<16xf32>
      %add3A_94 = arith.addf %scan3A_77, %mul3A_93 : vector<16xf32>
      %mul3A_95 = arith.constant 128 : i32
      %mul3A_96 = arith.muli %scan3A_76, %mul3A_95 : i32
      %add3A_97 = arith.constant 16 : i32
      %add3A_98 = arith.addi %mul3A_96, %add3A_97 : i32
      %add3A_99 = arith.constant 4096 : i32
      %add3A_100 = arith.addi %add3A_99, %add3A_98 : i32
      %get3A_101 = arith.index_cast %add3A_100 : i32 to index
      %get3A_102 = tpu.vector_load %arg7[%get3A_101] {strides = array<i32>} : memref<32768xi32, #tpu.memory_space<vmem>>, vector<16xi32>,
      %gather3A_103 = tpu.vector_load_idx %arg8[%get3A_102] : memref<8192xf32, #tpu.memory_space<vmem>>[vector<16xi32>], vector<16xf32>,
      %swap3A_104 = arith.constant 1 : i32
      %swap3A_105 = arith.index_cast %swap3A_104 : i32 to index
      %swap3A_106 = arith.index_cast %add3A_98 : i32 to index
      %swap3A_107 = tpu.vector_load %arg9[%swap3A_105, %swap3A_106] {strides = array<i32>} : memref<8x4096xf32, #tpu.memory_space<vmem>>, vector<16xf32>,
      tpu.vector_store %arg9[%swap3A_105, %swap3A_106], %gather3A_103 {strides = array<i32>} : memref<8x4096xf32, #tpu.memory_space<vmem>>, vector<16xf32>,
      %get3A_108 = arith.constant 1 : i32
      %get3A_109 = arith.index_cast %get3A_108 : i32 to index
      %get3A_110 = arith.index_cast %add3A_98 : i32 to index
      %get3A_111 = tpu.vector_load %arg10[%get3A_109, %get3A_110] {strides = array<i32>} : memref<8x4096xf32, #tpu.memory_space<vmem>>, vector<16xf32>,
      %sub3A_112 = arith.subf %gather3A_103, %get3A_111 : vector<16xf32>
      %mul3A_113 = arith.mulf %sub3A_112, %sub3A_112 : vector<16xf32>
      %add3A_114 = arith.addf %add3A_94, %mul3A_113 : vector<16xf32>
      %mul3A_115 = arith.constant 128 : i32
      %mul3A_116 = arith.muli %scan3A_76, %mul3A_115 : i32
      %add3A_117 = arith.constant 32 : i32
      %add3A_118 = arith.addi %mul3A_116, %add3A_117 : i32
      %add3A_119 = arith.constant 4096 : i32
      %add3A_120 = arith.addi %add3A_119, %add3A_118 : i32
      %get3A_121 = arith.index_cast %add3A_120 : i32 to index
      %get3A_122 = tpu.vector_load %arg7[%get3A_121] {strides = array<i32>} : memref<32768xi32, #tpu.memory_space<vmem>>, vector<16xi32>,
      %gather3A_123 = tpu.vector_load_idx %arg8[%get3A_122] : memref<8192xf32, #tpu.memory_space<vmem>>[vector<16xi32>], vector<16xf32>,
      %swap3A_124 = arith.constant 1 : i32
      %swap3A_125 = arith.index_cast %swap3A_124 : i32 to index
      %swap3A_126 = arith.index_cast %add3A_118 : i32 to index
      %swap3A_127 = tpu.vector_load %arg9[%swap3A_125, %swap3A_126] {strides = array<i32>} : memref<8x4096xf32, #tpu.memory_space<vmem>>, vector<16xf32>,
      tpu.vector_store %arg9[%swap3A_125, %swap3A_126], %gather3A_123 {strides = array<i32>} : memref<8x4096xf32, #tpu.memory_space<vmem>>, vector<16xf32>,
      %get3A_128 = arith.constant 1 : i32
      %get3A_129 = arith.index_cast %get3A_128 : i32 to index
      %get3A_130 = arith.index_cast %add3A_118 : i32 to index
      %get3A_131 = tpu.vector_load %arg10[%get3A_129, %get3A_130] {strides = array<i32>} : memref<8x4096xf32, #tpu.memory_space<vmem>>, vector<16xf32>,
      %sub3A_132 = arith.subf %gather3A_123, %get3A_131 : vector<16xf32>
      %mul3A_133 = arith.mulf %sub3A_132, %sub3A_132 : vector<16xf32>
      %add3A_134 = arith.addf %add3A_114, %mul3A_133 : vector<16xf32>
      %mul3A_135 = arith.constant 128 : i32
      %mul3A_136 = arith.muli %scan3A_76, %mul3A_135 : i32
      %add3A_137 = arith.constant 48 : i32
      %add3A_138 = arith.addi %mul3A_136, %add3A_137 : i32
      %add3A_139 = arith.constant 4096 : i32
      %add3A_140 = arith.addi %add3A_139, %add3A_138 : i32
      %get3A_141 = arith.index_cast %add3A_140 : i32 to index
      %get3A_142 = tpu.vector_load %arg7[%get3A_141] {strides = array<i32>} : memref<32768xi32, #tpu.memory_space<vmem>>, vector<16xi32>,
      %gather3A_143 = tpu.vector_load_idx %arg8[%get3A_142] : memref<8192xf32, #tpu.memory_space<vmem>>[vector<16xi32>], vector<16xf32>,
      %swap3A_144 = arith.constant 1 : i32
      %swap3A_145 = arith.index_cast %swap3A_144 : i32 to index
      %swap3A_146 = arith.index_cast %add3A_138 : i32 to index
      %swap3A_147 = tpu.vector_load %arg9[%swap3A_145, %swap3A_146] {strides = array<i32>} : memref<8x4096xf32, #tpu.memory_space<vmem>>, vector<16xf32>,
      tpu.vector_store %arg9[%swap3A_145, %swap3A_146], %gather3A_143 {strides = array<i32>} : memref<8x4096xf32, #tpu.memory_space<vmem>>, vector<16xf32>,
      %get3A_148 = arith.constant 1 : i32
      %get3A_149 = arith.index_cast %get3A_148 : i32 to index
      %get3A_150 = arith.index_cast %add3A_138 : i32 to index
      %get3A_151 = tpu.vector_load %arg10[%get3A_149, %get3A_150] {strides = array<i32>} : memref<8x4096xf32, #tpu.memory_space<vmem>>, vector<16xf32>,
      %sub3A_152 = arith.subf %gather3A_143, %get3A_151 : vector<16xf32>
      %mul3A_153 = arith.mulf %sub3A_152, %sub3A_152 : vector<16xf32>
      %add3A_154 = arith.addf %add3A_134, %mul3A_153 : vector<16xf32>
      %mul3A_155 = arith.constant 128 : i32
      %mul3A_156 = arith.muli %scan3A_76, %mul3A_155 : i32
      %add3A_157 = arith.constant 64 : i32
      %add3A_158 = arith.addi %mul3A_156, %add3A_157 : i32
      %add3A_159 = arith.constant 4096 : i32
      %add3A_160 = arith.addi %add3A_159, %add3A_158 : i32
      %get3A_161 = arith.index_cast %add3A_160 : i32 to index
      %get3A_162 = tpu.vector_load %arg7[%get3A_161] {strides = array<i32>} : memref<32768xi32, #tpu.memory_space<vmem>>, vector<16xi32>,
      %gather3A_163 = tpu.vector_load_idx %arg8[%get3A_162] : memref<8192xf32, #tpu.memory_space<vmem>>[vector<16xi32>], vector<16xf32>,
      %swap3A_164 = arith.constant 1 : i32
      %swap3A_165 = arith.index_cast %swap3A_164 : i32 to index
      %swap3A_166 = arith.index_cast %add3A_158 : i32 to index
      %swap3A_167 = tpu.vector_load %arg9[%swap3A_165, %swap3A_166] {strides = array<i32>} : memref<8x4096xf32, #tpu.memory_space<vmem>>, vector<16xf32>,
      tpu.vector_store %arg9[%swap3A_165, %swap3A_166], %gather3A_163 {strides = array<i32>} : memref<8x4096xf32, #tpu.memory_space<vmem>>, vector<16xf32>,
      %get3A_168 = arith.constant 1 : i32
      %get3A_169 = arith.index_cast %get3A_168 : i32 to index
      %get3A_170 = arith.index_cast %add3A_158 : i32 to index
      %get3A_171 = tpu.vector_load %arg10[%get3A_169, %get3A_170] {strides = array<i32>} : memref<8x4096xf32, #tpu.memory_space<vmem>>, vector<16xf32>,
      %sub3A_172 = arith.subf %gather3A_163, %get3A_171 : vector<16xf32>
      %mul3A_173 = arith.mulf %sub3A_172, %sub3A_172 : vector<16xf32>
      %add3A_174 = arith.addf %add3A_154, %mul3A_173 : vector<16xf32>
      %mul3A_175 = arith.constant 128 : i32
      %mul3A_176 = arith.muli %scan3A_76, %mul3A_175 : i32
      %add3A_177 = arith.constant 80 : i32
      %add3A_178 = arith.addi %mul3A_176, %add3A_177 : i32
      %add3A_179 = arith.constant 4096 : i32
      %add3A_180 = arith.addi %add3A_179, %add3A_178 : i32
      %get3A_181 = arith.index_cast %add3A_180 : i32 to index
      %get3A_182 = tpu.vector_load %arg7[%get3A_181] {strides = array<i32>} : memref<32768xi32, #tpu.memory_space<vmem>>, vector<16xi32>,
      %gather3A_183 = tpu.vector_load_idx %arg8[%get3A_182] : memref<8192xf32, #tpu.memory_space<vmem>>[vector<16xi32>], vector<16xf32>,
      %swap3A_184 = arith.constant 1 : i32
      %swap3A_185 = arith.index_cast %swap3A_184 : i32 to index
      %swap3A_186 = arith.index_cast %add3A_178 : i32 to index
      %swap3A_187 = tpu.vector_load %arg9[%swap3A_185, %swap3A_186] {strides = array<i32>} : memref<8x4096xf32, #tpu.memory_space<vmem>>, vector<16xf32>,
      tpu.vector_store %arg9[%swap3A_185, %swap3A_186], %gather3A_183 {strides = array<i32>} : memref<8x4096xf32, #tpu.memory_space<vmem>>, vector<16xf32>,
      %get3A_188 = arith.constant 1 : i32
      %get3A_189 = arith.index_cast %get3A_188 : i32 to index
      %get3A_190 = arith.index_cast %add3A_178 : i32 to index
      %get3A_191 = tpu.vector_load %arg10[%get3A_189, %get3A_190] {strides = array<i32>} : memref<8x4096xf32, #tpu.memory_space<vmem>>, vector<16xf32>,
      %sub3A_192 = arith.subf %gather3A_183, %get3A_191 : vector<16xf32>
      %mul3A_193 = arith.mulf %sub3A_192, %sub3A_192 : vector<16xf32>
      %add3A_194 = arith.addf %add3A_174, %mul3A_193 : vector<16xf32>
      %mul3A_195 = arith.constant 128 : i32
      %mul3A_196 = arith.muli %scan3A_76, %mul3A_195 : i32
      %add3A_197 = arith.constant 96 : i32
      %add3A_198 = arith.addi %mul3A_196, %add3A_197 : i32
      %add3A_199 = arith.constant 4096 : i32
      %add3A_200 = arith.addi %add3A_199, %add3A_198 : i32
      %get3A_201 = arith.index_cast %add3A_200 : i32 to index
      %get3A_202 = tpu.vector_load %arg7[%get3A_201] {strides = array<i32>} : memref<32768xi32, #tpu.memory_space<vmem>>, vector<16xi32>,
      %gather3A_203 = tpu.vector_load_idx %arg8[%get3A_202] : memref<8192xf32, #tpu.memory_space<vmem>>[vector<16xi32>], vector<16xf32>,
      %swap3A_204 = arith.constant 1 : i32
      %swap3A_205 = arith.index_cast %swap3A_204 : i32 to index
      %swap3A_206 = arith.index_cast %add3A_198 : i32 to index
      %swap3A_207 = tpu.vector_load %arg9[%swap3A_205, %swap3A_206] {strides = array<i32>} : memref<8x4096xf32, #tpu.memory_space<vmem>>, vector<16xf32>,
      tpu.vector_store %arg9[%swap3A_205, %swap3A_206], %gather3A_203 {strides = array<i32>} : memref<8x4096xf32, #tpu.memory_space<vmem>>, vector<16xf32>,
      %get3A_208 = arith.constant 1 : i32
      %get3A_209 = arith.index_cast %get3A_208 : i32 to index
      %get3A_210 = arith.index_cast %add3A_198 : i32 to index
      %get3A_211 = tpu.vector_load %arg10[%get3A_209, %get3A_210] {strides = array<i32>} : memref<8x4096xf32, #tpu.memory_space<vmem>>, vector<16xf32>,
      %sub3A_212 = arith.subf %gather3A_203, %get3A_211 : vector<16xf32>
      %mul3A_213 = arith.mulf %sub3A_212, %sub3A_212 : vector<16xf32>
      %add3A_214 = arith.addf %add3A_194, %mul3A_213 : vector<16xf32>
      %mul3A_215 = arith.constant 128 : i32
      %mul3A_216 = arith.muli %scan3A_76, %mul3A_215 : i32
      %add3A_217 = arith.constant 112 : i32
      %add3A_218 = arith.addi %mul3A_216, %add3A_217 : i32
      %add3A_219 = arith.constant 4096 : i32
      %add3A_220 = arith.addi %add3A_219, %add3A_218 : i32
      %get3A_221 = arith.index_cast %add3A_220 : i32 to index
      %get3A_222 = tpu.vector_load %arg7[%get3A_221] {strides = array<i32>} : memref<32768xi32, #tpu.memory_space<vmem>>, vector<16xi32>,
      %gather3A_223 = tpu.vector_load_idx %arg8[%get3A_222] : memref<8192xf32, #tpu.memory_space<vmem>>[vector<16xi32>], vector<16xf32>,
      %swap3A_224 = arith.constant 1 : i32
      %swap3A_225 = arith.index_cast %swap3A_224 : i32 to index
      %swap3A_226 = arith.index_cast %add3A_218 : i32 to index
      %swap3A_227 = tpu.vector_load %arg9[%swap3A_225, %swap3A_226] {strides = array<i32>} : memref<8x4096xf32, #tpu.memory_space<vmem>>, vector<16xf32>,
      tpu.vector_store %arg9[%swap3A_225, %swap3A_226], %gather3A_223 {strides = array<i32>} : memref<8x4096xf32, #tpu.memory_space<vmem>>, vector<16xf32>,
      %get3A_228 = arith.constant 1 : i32
      %get3A_229 = arith.index_cast %get3A_228 : i32 to index
      %get3A_230 = arith.index_cast %add3A_218 : i32 to index
      %get3A_231 = tpu.vector_load %arg10[%get3A_229, %get3A_230] {strides = array<i32>} : memref<8x4096xf32, #tpu.memory_space<vmem>>, vector<16xf32>,
      %sub3A_232 = arith.subf %gather3A_223, %get3A_231 : vector<16xf32>
      %mul3A_233 = arith.mulf %sub3A_232, %sub3A_232 : vector<16xf32>
      %add3A_234 = arith.addf %add3A_214, %mul3A_233 : vector<16xf32>
      scf.yield %add3A_234 : vector<16xf32>
    }
    %scan3A_38 = arith.constant 32 : i32
    %scan3A_39 = arith.constant 0 : i32
    %scan3A_40 = arith.constant 32 : i32
    %scan3A_41 = arith.addi %scan3A_39, %scan3A_40 : i32
    %scan3A_42 = arith.constant 1 : i32
    %scan3A_43 = scf.for %scan3A_76 = %scan3A_39 to %scan3A_41 step %scan3A_42 iter_args(%scan3A_77 = %scan3A_37) -> (vector<16xf32>)  : i32 {
      %mul3A_78 = arith.constant 128 : i32
      %mul3A_79 = arith.muli %scan3A_76, %mul3A_78 : i32
      %add3A_80 = arith.constant 0 : i32
      %add3A_81 = arith.addi %mul3A_79, %add3A_80 : i32
      %add3A_82 = arith.constant 8192 : i32
      %add3A_83 = arith.addi %add3A_82, %add3A_81 : i32
      %get3A = arith.index_cast %add3A_83 : i32 to index
      %get3A_84 = tpu.vector_load %arg7[%get3A] {strides = array<i32>} : memref<32768xi32, #tpu.memory_space<vmem>>, vector<16xi32>,
      %gather3A = tpu.vector_load_idx %arg8[%get3A_84] : memref<8192xf32, #tpu.memory_space<vmem>>[vector<16xi32>], vector<16xf32>,
      %swap3A_85 = arith.constant 2 : i32
      %swap3A_86 = arith.index_cast %swap3A_85 : i32 to index
      %swap3A_87 = arith.index_cast %add3A_81 : i32 to index
      %swap3A_88 = tpu.vector_load %arg9[%swap3A_86, %swap3A_87] {strides = array<i32>} : memref<8x4096xf32, #tpu.memory_space<vmem>>, vector<16xf32>,
      tpu.vector_store %arg9[%swap3A_86, %swap3A_87], %gather3A {strides = array<i32>} : memref<8x4096xf32, #tpu.memory_space<vmem>>, vector<16xf32>,
      %get3A_89 = arith.constant 2 : i32
      %get3A_90 = arith.index_cast %get3A_89 : i32 to index
      %get3A_91 = arith.index_cast %add3A_81 : i32 to index
      %get3A_92 = tpu.vector_load %arg10[%get3A_90, %get3A_91] {strides = array<i32>} : memref<8x4096xf32, #tpu.memory_space<vmem>>, vector<16xf32>,
      %sub3A = arith.subf %gather3A, %get3A_92 : vector<16xf32>
      %mul3A_93 = arith.mulf %sub3A, %sub3A : vector<16xf32>
      %add3A_94 = arith.addf %scan3A_77, %mul3A_93 : vector<16xf32>
      %mul3A_95 = arith.constant 128 : i32
      %mul3A_96 = arith.muli %scan3A_76, %mul3A_95 : i32
      %add3A_97 = arith.constant 16 : i32
      %add3A_98 = arith.addi %mul3A_96, %add3A_97 : i32
      %add3A_99 = arith.constant 8192 : i32
      %add3A_100 = arith.addi %add3A_99, %add3A_98 : i32
      %get3A_101 = arith.index_cast %add3A_100 : i32 to index
      %get3A_102 = tpu.vector_load %arg7[%get3A_101] {strides = array<i32>} : memref<32768xi32, #tpu.memory_space<vmem>>, vector<16xi32>,
      %gather3A_103 = tpu.vector_load_idx %arg8[%get3A_102] : memref<8192xf32, #tpu.memory_space<vmem>>[vector<16xi32>], vector<16xf32>,
      %swap3A_104 = arith.constant 2 : i32
      %swap3A_105 = arith.index_cast %swap3A_104 : i32 to index
      %swap3A_106 = arith.index_cast %add3A_98 : i32 to index
      %swap3A_107 = tpu.vector_load %arg9[%swap3A_105, %swap3A_106] {strides = array<i32>} : memref<8x4096xf32, #tpu.memory_space<vmem>>, vector<16xf32>,
      tpu.vector_store %arg9[%swap3A_105, %swap3A_106], %gather3A_103 {strides = array<i32>} : memref<8x4096xf32, #tpu.memory_space<vmem>>, vector<16xf32>,
      %get3A_108 = arith.constant 2 : i32
      %get3A_109 = arith.index_cast %get3A_108 : i32 to index
      %get3A_110 = arith.index_cast %add3A_98 : i32 to index
      %get3A_111 = tpu.vector_load %arg10[%get3A_109, %get3A_110] {strides = array<i32>} : memref<8x4096xf32, #tpu.memory_space<vmem>>, vector<16xf32>,
      %sub3A_112 = arith.subf %gather3A_103, %get3A_111 : vector<16xf32>
      %mul3A_113 = arith.mulf %sub3A_112, %sub3A_112 : vector<16xf32>
      %add3A_114 = arith.addf %add3A_94, %mul3A_113 : vector<16xf32>
      %mul3A_115 = arith.constant 128 : i32
      %mul3A_116 = arith.muli %scan3A_76, %mul3A_115 : i32
      %add3A_117 = arith.constant 32 : i32
      %add3A_118 = arith.addi %mul3A_116, %add3A_117 : i32
      %add3A_119 = arith.constant 8192 : i32
      %add3A_120 = arith.addi %add3A_119, %add3A_118 : i32
      %get3A_121 = arith.index_cast %add3A_120 : i32 to index
      %get3A_122 = tpu.vector_load %arg7[%get3A_121] {strides = array<i32>} : memref<32768xi32, #tpu.memory_space<vmem>>, vector<16xi32>,
      %gather3A_123 = tpu.vector_load_idx %arg8[%get3A_122] : memref<8192xf32, #tpu.memory_space<vmem>>[vector<16xi32>], vector<16xf32>,
      %swap3A_124 = arith.constant 2 : i32
      %swap3A_125 = arith.index_cast %swap3A_124 : i32 to index
      %swap3A_126 = arith.index_cast %add3A_118 : i32 to index
      %swap3A_127 = tpu.vector_load %arg9[%swap3A_125, %swap3A_126] {strides = array<i32>} : memref<8x4096xf32, #tpu.memory_space<vmem>>, vector<16xf32>,
      tpu.vector_store %arg9[%swap3A_125, %swap3A_126], %gather3A_123 {strides = array<i32>} : memref<8x4096xf32, #tpu.memory_space<vmem>>, vector<16xf32>,
      %get3A_128 = arith.constant 2 : i32
      %get3A_129 = arith.index_cast %get3A_128 : i32 to index
      %get3A_130 = arith.index_cast %add3A_118 : i32 to index
      %get3A_131 = tpu.vector_load %arg10[%get3A_129, %get3A_130] {strides = array<i32>} : memref<8x4096xf32, #tpu.memory_space<vmem>>, vector<16xf32>,
      %sub3A_132 = arith.subf %gather3A_123, %get3A_131 : vector<16xf32>
      %mul3A_133 = arith.mulf %sub3A_132, %sub3A_132 : vector<16xf32>
      %add3A_134 = arith.addf %add3A_114, %mul3A_133 : vector<16xf32>
      %mul3A_135 = arith.constant 128 : i32
      %mul3A_136 = arith.muli %scan3A_76, %mul3A_135 : i32
      %add3A_137 = arith.constant 48 : i32
      %add3A_138 = arith.addi %mul3A_136, %add3A_137 : i32
      %add3A_139 = arith.constant 8192 : i32
      %add3A_140 = arith.addi %add3A_139, %add3A_138 : i32
      %get3A_141 = arith.index_cast %add3A_140 : i32 to index
      %get3A_142 = tpu.vector_load %arg7[%get3A_141] {strides = array<i32>} : memref<32768xi32, #tpu.memory_space<vmem>>, vector<16xi32>,
      %gather3A_143 = tpu.vector_load_idx %arg8[%get3A_142] : memref<8192xf32, #tpu.memory_space<vmem>>[vector<16xi32>], vector<16xf32>,
      %swap3A_144 = arith.constant 2 : i32
      %swap3A_145 = arith.index_cast %swap3A_144 : i32 to index
      %swap3A_146 = arith.index_cast %add3A_138 : i32 to index
      %swap3A_147 = tpu.vector_load %arg9[%swap3A_145, %swap3A_146] {strides = array<i32>} : memref<8x4096xf32, #tpu.memory_space<vmem>>, vector<16xf32>,
      tpu.vector_store %arg9[%swap3A_145, %swap3A_146], %gather3A_143 {strides = array<i32>} : memref<8x4096xf32, #tpu.memory_space<vmem>>, vector<16xf32>,
      %get3A_148 = arith.constant 2 : i32
      %get3A_149 = arith.index_cast %get3A_148 : i32 to index
      %get3A_150 = arith.index_cast %add3A_138 : i32 to index
      %get3A_151 = tpu.vector_load %arg10[%get3A_149, %get3A_150] {strides = array<i32>} : memref<8x4096xf32, #tpu.memory_space<vmem>>, vector<16xf32>,
      %sub3A_152 = arith.subf %gather3A_143, %get3A_151 : vector<16xf32>
      %mul3A_153 = arith.mulf %sub3A_152, %sub3A_152 : vector<16xf32>
      %add3A_154 = arith.addf %add3A_134, %mul3A_153 : vector<16xf32>
      %mul3A_155 = arith.constant 128 : i32
      %mul3A_156 = arith.muli %scan3A_76, %mul3A_155 : i32
      %add3A_157 = arith.constant 64 : i32
      %add3A_158 = arith.addi %mul3A_156, %add3A_157 : i32
      %add3A_159 = arith.constant 8192 : i32
      %add3A_160 = arith.addi %add3A_159, %add3A_158 : i32
      %get3A_161 = arith.index_cast %add3A_160 : i32 to index
      %get3A_162 = tpu.vector_load %arg7[%get3A_161] {strides = array<i32>} : memref<32768xi32, #tpu.memory_space<vmem>>, vector<16xi32>,
      %gather3A_163 = tpu.vector_load_idx %arg8[%get3A_162] : memref<8192xf32, #tpu.memory_space<vmem>>[vector<16xi32>], vector<16xf32>,
      %swap3A_164 = arith.constant 2 : i32
      %swap3A_165 = arith.index_cast %swap3A_164 : i32 to index
      %swap3A_166 = arith.index_cast %add3A_158 : i32 to index
      %swap3A_167 = tpu.vector_load %arg9[%swap3A_165, %swap3A_166] {strides = array<i32>} : memref<8x4096xf32, #tpu.memory_space<vmem>>, vector<16xf32>,
      tpu.vector_store %arg9[%swap3A_165, %swap3A_166], %gather3A_163 {strides = array<i32>} : memref<8x4096xf32, #tpu.memory_space<vmem>>, vector<16xf32>,
      %get3A_168 = arith.constant 2 : i32
      %get3A_169 = arith.index_cast %get3A_168 : i32 to index
      %get3A_170 = arith.index_cast %add3A_158 : i32 to index
      %get3A_171 = tpu.vector_load %arg10[%get3A_169, %get3A_170] {strides = array<i32>} : memref<8x4096xf32, #tpu.memory_space<vmem>>, vector<16xf32>,
      %sub3A_172 = arith.subf %gather3A_163, %get3A_171 : vector<16xf32>
      %mul3A_173 = arith.mulf %sub3A_172, %sub3A_172 : vector<16xf32>
      %add3A_174 = arith.addf %add3A_154, %mul3A_173 : vector<16xf32>
      %mul3A_175 = arith.constant 128 : i32
      %mul3A_176 = arith.muli %scan3A_76, %mul3A_175 : i32
      %add3A_177 = arith.constant 80 : i32
      %add3A_178 = arith.addi %mul3A_176, %add3A_177 : i32
      %add3A_179 = arith.constant 8192 : i32
      %add3A_180 = arith.addi %add3A_179, %add3A_178 : i32
      %get3A_181 = arith.index_cast %add3A_180 : i32 to index
      %get3A_182 = tpu.vector_load %arg7[%get3A_181] {strides = array<i32>} : memref<32768xi32, #tpu.memory_space<vmem>>, vector<16xi32>,
      %gather3A_183 = tpu.vector_load_idx %arg8[%get3A_182] : memref<8192xf32, #tpu.memory_space<vmem>>[vector<16xi32>], vector<16xf32>,
      %swap3A_184 = arith.constant 2 : i32
      %swap3A_185 = arith.index_cast %swap3A_184 : i32 to index
      %swap3A_186 = arith.index_cast %add3A_178 : i32 to index
      %swap3A_187 = tpu.vector_load %arg9[%swap3A_185, %swap3A_186] {strides = array<i32>} : memref<8x4096xf32, #tpu.memory_space<vmem>>, vector<16xf32>,
      tpu.vector_store %arg9[%swap3A_185, %swap3A_186], %gather3A_183 {strides = array<i32>} : memref<8x4096xf32, #tpu.memory_space<vmem>>, vector<16xf32>,
      %get3A_188 = arith.constant 2 : i32
      %get3A_189 = arith.index_cast %get3A_188 : i32 to index
      %get3A_190 = arith.index_cast %add3A_178 : i32 to index
      %get3A_191 = tpu.vector_load %arg10[%get3A_189, %get3A_190] {strides = array<i32>} : memref<8x4096xf32, #tpu.memory_space<vmem>>, vector<16xf32>,
      %sub3A_192 = arith.subf %gather3A_183, %get3A_191 : vector<16xf32>
      %mul3A_193 = arith.mulf %sub3A_192, %sub3A_192 : vector<16xf32>
      %add3A_194 = arith.addf %add3A_174, %mul3A_193 : vector<16xf32>
      %mul3A_195 = arith.constant 128 : i32
      %mul3A_196 = arith.muli %scan3A_76, %mul3A_195 : i32
      %add3A_197 = arith.constant 96 : i32
      %add3A_198 = arith.addi %mul3A_196, %add3A_197 : i32
      %add3A_199 = arith.constant 8192 : i32
      %add3A_200 = arith.addi %add3A_199, %add3A_198 : i32
      %get3A_201 = arith.index_cast %add3A_200 : i32 to index
      %get3A_202 = tpu.vector_load %arg7[%get3A_201] {strides = array<i32>} : memref<32768xi32, #tpu.memory_space<vmem>>, vector<16xi32>,
      %gather3A_203 = tpu.vector_load_idx %arg8[%get3A_202] : memref<8192xf32, #tpu.memory_space<vmem>>[vector<16xi32>], vector<16xf32>,
      %swap3A_204 = arith.constant 2 : i32
      %swap3A_205 = arith.index_cast %swap3A_204 : i32 to index
      %swap3A_206 = arith.index_cast %add3A_198 : i32 to index
      %swap3A_207 = tpu.vector_load %arg9[%swap3A_205, %swap3A_206] {strides = array<i32>} : memref<8x4096xf32, #tpu.memory_space<vmem>>, vector<16xf32>,
      tpu.vector_store %arg9[%swap3A_205, %swap3A_206], %gather3A_203 {strides = array<i32>} : memref<8x4096xf32, #tpu.memory_space<vmem>>, vector<16xf32>,
      %get3A_208 = arith.constant 2 : i32
      %get3A_209 = arith.index_cast %get3A_208 : i32 to index
      %get3A_210 = arith.index_cast %add3A_198 : i32 to index
      %get3A_211 = tpu.vector_load %arg10[%get3A_209, %get3A_210] {strides = array<i32>} : memref<8x4096xf32, #tpu.memory_space<vmem>>, vector<16xf32>,
      %sub3A_212 = arith.subf %gather3A_203, %get3A_211 : vector<16xf32>
      %mul3A_213 = arith.mulf %sub3A_212, %sub3A_212 : vector<16xf32>
      %add3A_214 = arith.addf %add3A_194, %mul3A_213 : vector<16xf32>
      %mul3A_215 = arith.constant 128 : i32
      %mul3A_216 = arith.muli %scan3A_76, %mul3A_215 : i32
      %add3A_217 = arith.constant 112 : i32
      %add3A_218 = arith.addi %mul3A_216, %add3A_217 : i32
      %add3A_219 = arith.constant 8192 : i32
      %add3A_220 = arith.addi %add3A_219, %add3A_218 : i32
      %get3A_221 = arith.index_cast %add3A_220 : i32 to index
      %get3A_222 = tpu.vector_load %arg7[%get3A_221] {strides = array<i32>} : memref<32768xi32, #tpu.memory_space<vmem>>, vector<16xi32>,
      %gather3A_223 = tpu.vector_load_idx %arg8[%get3A_222] : memref<8192xf32, #tpu.memory_space<vmem>>[vector<16xi32>], vector<16xf32>,
      %swap3A_224 = arith.constant 2 : i32
      %swap3A_225 = arith.index_cast %swap3A_224 : i32 to index
      %swap3A_226 = arith.index_cast %add3A_218 : i32 to index
      %swap3A_227 = tpu.vector_load %arg9[%swap3A_225, %swap3A_226] {strides = array<i32>} : memref<8x4096xf32, #tpu.memory_space<vmem>>, vector<16xf32>,
      tpu.vector_store %arg9[%swap3A_225, %swap3A_226], %gather3A_223 {strides = array<i32>} : memref<8x4096xf32, #tpu.memory_space<vmem>>, vector<16xf32>,
      %get3A_228 = arith.constant 2 : i32
      %get3A_229 = arith.index_cast %get3A_228 : i32 to index
      %get3A_230 = arith.index_cast %add3A_218 : i32 to index
      %get3A_231 = tpu.vector_load %arg10[%get3A_229, %get3A_230] {strides = array<i32>} : memref<8x4096xf32, #tpu.memory_space<vmem>>, vector<16xf32>,
      %sub3A_232 = arith.subf %gather3A_223, %get3A_231 : vector<16xf32>
      %mul3A_233 = arith.mulf %sub3A_232, %sub3A_232 : vector<16xf32>
      %add3A_234 = arith.addf %add3A_214, %mul3A_233 : vector<16xf32>
      scf.yield %add3A_234 : vector<16xf32>
    }
    %scan3A_44 = arith.constant 32 : i32
    %scan3A_45 = arith.constant 0 : i32
    %scan3A_46 = arith.constant 32 : i32
    %scan3A_47 = arith.addi %scan3A_45, %scan3A_46 : i32
    %scan3A_48 = arith.constant 1 : i32
    %scan3A_49 = scf.for %scan3A_76 = %scan3A_45 to %scan3A_47 step %scan3A_48 iter_args(%scan3A_77 = %scan3A_43) -> (vector<16xf32>)  : i32 {
      %mul3A_78 = arith.constant 128 : i32
      %mul3A_79 = arith.muli %scan3A_76, %mul3A_78 : i32
      %add3A_80 = arith.constant 0 : i32
      %add3A_81 = arith.addi %mul3A_79, %add3A_80 : i32
      %add3A_82 = arith.constant 12288 : i32
      %add3A_83 = arith.addi %add3A_82, %add3A_81 : i32
      %get3A = arith.index_cast %add3A_83 : i32 to index
      %get3A_84 = tpu.vector_load %arg7[%get3A] {strides = array<i32>} : memref<32768xi32, #tpu.memory_space<vmem>>, vector<16xi32>,
      %gather3A = tpu.vector_load_idx %arg8[%get3A_84] : memref<8192xf32, #tpu.memory_space<vmem>>[vector<16xi32>], vector<16xf32>,
      %swap3A_85 = arith.constant 3 : i32
      %swap3A_86 = arith.index_cast %swap3A_85 : i32 to index
      %swap3A_87 = arith.index_cast %add3A_81 : i32 to index
      %swap3A_88 = tpu.vector_load %arg9[%swap3A_86, %swap3A_87] {strides = array<i32>} : memref<8x4096xf32, #tpu.memory_space<vmem>>, vector<16xf32>,
      tpu.vector_store %arg9[%swap3A_86, %swap3A_87], %gather3A {strides = array<i32>} : memref<8x4096xf32, #tpu.memory_space<vmem>>, vector<16xf32>,
      %get3A_89 = arith.constant 3 : i32
      %get3A_90 = arith.index_cast %get3A_89 : i32 to index
      %get3A_91 = arith.index_cast %add3A_81 : i32 to index
      %get3A_92 = tpu.vector_load %arg10[%get3A_90, %get3A_91] {strides = array<i32>} : memref<8x4096xf32, #tpu.memory_space<vmem>>, vector<16xf32>,
      %sub3A = arith.subf %gather3A, %get3A_92 : vector<16xf32>
      %mul3A_93 = arith.mulf %sub3A, %sub3A : vector<16xf32>
      %add3A_94 = arith.addf %scan3A_77, %mul3A_93 : vector<16xf32>
      %mul3A_95 = arith.constant 128 : i32
      %mul3A_96 = arith.muli %scan3A_76, %mul3A_95 : i32
      %add3A_97 = arith.constant 16 : i32
      %add3A_98 = arith.addi %mul3A_96, %add3A_97 : i32
      %add3A_99 = arith.constant 12288 : i32
      %add3A_100 = arith.addi %add3A_99, %add3A_98 : i32
      %get3A_101 = arith.index_cast %add3A_100 : i32 to index
      %get3A_102 = tpu.vector_load %arg7[%get3A_101] {strides = array<i32>} : memref<32768xi32, #tpu.memory_space<vmem>>, vector<16xi32>,
      %gather3A_103 = tpu.vector_load_idx %arg8[%get3A_102] : memref<8192xf32, #tpu.memory_space<vmem>>[vector<16xi32>], vector<16xf32>,
      %swap3A_104 = arith.constant 3 : i32
      %swap3A_105 = arith.index_cast %swap3A_104 : i32 to index
      %swap3A_106 = arith.index_cast %add3A_98 : i32 to index
      %swap3A_107 = tpu.vector_load %arg9[%swap3A_105, %swap3A_106] {strides = array<i32>} : memref<8x4096xf32, #tpu.memory_space<vmem>>, vector<16xf32>,
      tpu.vector_store %arg9[%swap3A_105, %swap3A_106], %gather3A_103 {strides = array<i32>} : memref<8x4096xf32, #tpu.memory_space<vmem>>, vector<16xf32>,
      %get3A_108 = arith.constant 3 : i32
      %get3A_109 = arith.index_cast %get3A_108 : i32 to index
      %get3A_110 = arith.index_cast %add3A_98 : i32 to index
      %get3A_111 = tpu.vector_load %arg10[%get3A_109, %get3A_110] {strides = array<i32>} : memref<8x4096xf32, #tpu.memory_space<vmem>>, vector<16xf32>,
      %sub3A_112 = arith.subf %gather3A_103, %get3A_111 : vector<16xf32>
      %mul3A_113 = arith.mulf %sub3A_112, %sub3A_112 : vector<16xf32>
      %add3A_114 = arith.addf %add3A_94, %mul3A_113 : vector<16xf32>
      %mul3A_115 = arith.constant 128 : i32
      %mul3A_116 = arith.muli %scan3A_76, %mul3A_115 : i32
      %add3A_117 = arith.constant 32 : i32
      %add3A_118 = arith.addi %mul3A_116, %add3A_117 : i32
      %add3A_119 = arith.constant 12288 : i32
      %add3A_120 = arith.addi %add3A_119, %add3A_118 : i32
      %get3A_121 = arith.index_cast %add3A_120 : i32 to index
      %get3A_122 = tpu.vector_load %arg7[%get3A_121] {strides = array<i32>} : memref<32768xi32, #tpu.memory_space<vmem>>, vector<16xi32>,
      %gather3A_123 = tpu.vector_load_idx %arg8[%get3A_122] : memref<8192xf32, #tpu.memory_space<vmem>>[vector<16xi32>], vector<16xf32>,
      %swap3A_124 = arith.constant 3 : i32
      %swap3A_125 = arith.index_cast %swap3A_124 : i32 to index
      %swap3A_126 = arith.index_cast %add3A_118 : i32 to index
      %swap3A_127 = tpu.vector_load %arg9[%swap3A_125, %swap3A_126] {strides = array<i32>} : memref<8x4096xf32, #tpu.memory_space<vmem>>, vector<16xf32>,
      tpu.vector_store %arg9[%swap3A_125, %swap3A_126], %gather3A_123 {strides = array<i32>} : memref<8x4096xf32, #tpu.memory_space<vmem>>, vector<16xf32>,
      %get3A_128 = arith.constant 3 : i32
      %get3A_129 = arith.index_cast %get3A_128 : i32 to index
      %get3A_130 = arith.index_cast %add3A_118 : i32 to index
      %get3A_131 = tpu.vector_load %arg10[%get3A_129, %get3A_130] {strides = array<i32>} : memref<8x4096xf32, #tpu.memory_space<vmem>>, vector<16xf32>,
      %sub3A_132 = arith.subf %gather3A_123, %get3A_131 : vector<16xf32>
      %mul3A_133 = arith.mulf %sub3A_132, %sub3A_132 : vector<16xf32>
      %add3A_134 = arith.addf %add3A_114, %mul3A_133 : vector<16xf32>
      %mul3A_135 = arith.constant 128 : i32
      %mul3A_136 = arith.muli %scan3A_76, %mul3A_135 : i32
      %add3A_137 = arith.constant 48 : i32
      %add3A_138 = arith.addi %mul3A_136, %add3A_137 : i32
      %add3A_139 = arith.constant 12288 : i32
      %add3A_140 = arith.addi %add3A_139, %add3A_138 : i32
      %get3A_141 = arith.index_cast %add3A_140 : i32 to index
      %get3A_142 = tpu.vector_load %arg7[%get3A_141] {strides = array<i32>} : memref<32768xi32, #tpu.memory_space<vmem>>, vector<16xi32>,
      %gather3A_143 = tpu.vector_load_idx %arg8[%get3A_142] : memref<8192xf32, #tpu.memory_space<vmem>>[vector<16xi32>], vector<16xf32>,
      %swap3A_144 = arith.constant 3 : i32
      %swap3A_145 = arith.index_cast %swap3A_144 : i32 to index
      %swap3A_146 = arith.index_cast %add3A_138 : i32 to index
      %swap3A_147 = tpu.vector_load %arg9[%swap3A_145, %swap3A_146] {strides = array<i32>} : memref<8x4096xf32, #tpu.memory_space<vmem>>, vector<16xf32>,
      tpu.vector_store %arg9[%swap3A_145, %swap3A_146], %gather3A_143 {strides = array<i32>} : memref<8x4096xf32, #tpu.memory_space<vmem>>, vector<16xf32>,
      %get3A_148 = arith.constant 3 : i32
      %get3A_149 = arith.index_cast %get3A_148 : i32 to index
      %get3A_150 = arith.index_cast %add3A_138 : i32 to index
      %get3A_151 = tpu.vector_load %arg10[%get3A_149, %get3A_150] {strides = array<i32>} : memref<8x4096xf32, #tpu.memory_space<vmem>>, vector<16xf32>,
      %sub3A_152 = arith.subf %gather3A_143, %get3A_151 : vector<16xf32>
      %mul3A_153 = arith.mulf %sub3A_152, %sub3A_152 : vector<16xf32>
      %add3A_154 = arith.addf %add3A_134, %mul3A_153 : vector<16xf32>
      %mul3A_155 = arith.constant 128 : i32
      %mul3A_156 = arith.muli %scan3A_76, %mul3A_155 : i32
      %add3A_157 = arith.constant 64 : i32
      %add3A_158 = arith.addi %mul3A_156, %add3A_157 : i32
      %add3A_159 = arith.constant 12288 : i32
      %add3A_160 = arith.addi %add3A_159, %add3A_158 : i32
      %get3A_161 = arith.index_cast %add3A_160 : i32 to index
      %get3A_162 = tpu.vector_load %arg7[%get3A_161] {strides = array<i32>} : memref<32768xi32, #tpu.memory_space<vmem>>, vector<16xi32>,
      %gather3A_163 = tpu.vector_load_idx %arg8[%get3A_162] : memref<8192xf32, #tpu.memory_space<vmem>>[vector<16xi32>], vector<16xf32>,
      %swap3A_164 = arith.constant 3 : i32
      %swap3A_165 = arith.index_cast %swap3A_164 : i32 to index
      %swap3A_166 = arith.index_cast %add3A_158 : i32 to index
      %swap3A_167 = tpu.vector_load %arg9[%swap3A_165, %swap3A_166] {strides = array<i32>} : memref<8x4096xf32, #tpu.memory_space<vmem>>, vector<16xf32>,
      tpu.vector_store %arg9[%swap3A_165, %swap3A_166], %gather3A_163 {strides = array<i32>} : memref<8x4096xf32, #tpu.memory_space<vmem>>, vector<16xf32>,
      %get3A_168 = arith.constant 3 : i32
      %get3A_169 = arith.index_cast %get3A_168 : i32 to index
      %get3A_170 = arith.index_cast %add3A_158 : i32 to index
      %get3A_171 = tpu.vector_load %arg10[%get3A_169, %get3A_170] {strides = array<i32>} : memref<8x4096xf32, #tpu.memory_space<vmem>>, vector<16xf32>,
      %sub3A_172 = arith.subf %gather3A_163, %get3A_171 : vector<16xf32>
      %mul3A_173 = arith.mulf %sub3A_172, %sub3A_172 : vector<16xf32>
      %add3A_174 = arith.addf %add3A_154, %mul3A_173 : vector<16xf32>
      %mul3A_175 = arith.constant 128 : i32
      %mul3A_176 = arith.muli %scan3A_76, %mul3A_175 : i32
      %add3A_177 = arith.constant 80 : i32
      %add3A_178 = arith.addi %mul3A_176, %add3A_177 : i32
      %add3A_179 = arith.constant 12288 : i32
      %add3A_180 = arith.addi %add3A_179, %add3A_178 : i32
      %get3A_181 = arith.index_cast %add3A_180 : i32 to index
      %get3A_182 = tpu.vector_load %arg7[%get3A_181] {strides = array<i32>} : memref<32768xi32, #tpu.memory_space<vmem>>, vector<16xi32>,
      %gather3A_183 = tpu.vector_load_idx %arg8[%get3A_182] : memref<8192xf32, #tpu.memory_space<vmem>>[vector<16xi32>], vector<16xf32>,
      %swap3A_184 = arith.constant 3 : i32
      %swap3A_185 = arith.index_cast %swap3A_184 : i32 to index
      %swap3A_186 = arith.index_cast %add3A_178 : i32 to index
      %swap3A_187 = tpu.vector_load %arg9[%swap3A_185, %swap3A_186] {strides = array<i32>} : memref<8x4096xf32, #tpu.memory_space<vmem>>, vector<16xf32>,
      tpu.vector_store %arg9[%swap3A_185, %swap3A_186], %gather3A_183 {strides = array<i32>} : memref<8x4096xf32, #tpu.memory_space<vmem>>, vector<16xf32>,
      %get3A_188 = arith.constant 3 : i32
      %get3A_189 = arith.index_cast %get3A_188 : i32 to index
      %get3A_190 = arith.index_cast %add3A_178 : i32 to index
      %get3A_191 = tpu.vector_load %arg10[%get3A_189, %get3A_190] {strides = array<i32>} : memref<8x4096xf32, #tpu.memory_space<vmem>>, vector<16xf32>,
      %sub3A_192 = arith.subf %gather3A_183, %get3A_191 : vector<16xf32>
      %mul3A_193 = arith.mulf %sub3A_192, %sub3A_192 : vector<16xf32>
      %add3A_194 = arith.addf %add3A_174, %mul3A_193 : vector<16xf32>
      %mul3A_195 = arith.constant 128 : i32
      %mul3A_196 = arith.muli %scan3A_76, %mul3A_195 : i32
      %add3A_197 = arith.constant 96 : i32
      %add3A_198 = arith.addi %mul3A_196, %add3A_197 : i32
      %add3A_199 = arith.constant 12288 : i32
      %add3A_200 = arith.addi %add3A_199, %add3A_198 : i32
      %get3A_201 = arith.index_cast %add3A_200 : i32 to index
      %get3A_202 = tpu.vector_load %arg7[%get3A_201] {strides = array<i32>} : memref<32768xi32, #tpu.memory_space<vmem>>, vector<16xi32>,
      %gather3A_203 = tpu.vector_load_idx %arg8[%get3A_202] : memref<8192xf32, #tpu.memory_space<vmem>>[vector<16xi32>], vector<16xf32>,
      %swap3A_204 = arith.constant 3 : i32
      %swap3A_205 = arith.index_cast %swap3A_204 : i32 to index
      %swap3A_206 = arith.index_cast %add3A_198 : i32 to index
      %swap3A_207 = tpu.vector_load %arg9[%swap3A_205, %swap3A_206] {strides = array<i32>} : memref<8x4096xf32, #tpu.memory_space<vmem>>, vector<16xf32>,
      tpu.vector_store %arg9[%swap3A_205, %swap3A_206], %gather3A_203 {strides = array<i32>} : memref<8x4096xf32, #tpu.memory_space<vmem>>, vector<16xf32>,
      %get3A_208 = arith.constant 3 : i32
      %get3A_209 = arith.index_cast %get3A_208 : i32 to index
      %get3A_210 = arith.index_cast %add3A_198 : i32 to index
      %get3A_211 = tpu.vector_load %arg10[%get3A_209, %get3A_210] {strides = array<i32>} : memref<8x4096xf32, #tpu.memory_space<vmem>>, vector<16xf32>,
      %sub3A_212 = arith.subf %gather3A_203, %get3A_211 : vector<16xf32>
      %mul3A_213 = arith.mulf %sub3A_212, %sub3A_212 : vector<16xf32>
      %add3A_214 = arith.addf %add3A_194, %mul3A_213 : vector<16xf32>
      %mul3A_215 = arith.constant 128 : i32
      %mul3A_216 = arith.muli %scan3A_76, %mul3A_215 : i32
      %add3A_217 = arith.constant 112 : i32
      %add3A_218 = arith.addi %mul3A_216, %add3A_217 : i32
      %add3A_219 = arith.constant 12288 : i32
      %add3A_220 = arith.addi %add3A_219, %add3A_218 : i32
      %get3A_221 = arith.index_cast %add3A_220 : i32 to index
      %get3A_222 = tpu.vector_load %arg7[%get3A_221] {strides = array<i32>} : memref<32768xi32, #tpu.memory_space<vmem>>, vector<16xi32>,
      %gather3A_223 = tpu.vector_load_idx %arg8[%get3A_222] : memref<8192xf32, #tpu.memory_space<vmem>>[vector<16xi32>], vector<16xf32>,
      %swap3A_224 = arith.constant 3 : i32
      %swap3A_225 = arith.index_cast %swap3A_224 : i32 to index
      %swap3A_226 = arith.index_cast %add3A_218 : i32 to index
      %swap3A_227 = tpu.vector_load %arg9[%swap3A_225, %swap3A_226] {strides = array<i32>} : memref<8x4096xf32, #tpu.memory_space<vmem>>, vector<16xf32>,
      tpu.vector_store %arg9[%swap3A_225, %swap3A_226], %gather3A_223 {strides = array<i32>} : memref<8x4096xf32, #tpu.memory_space<vmem>>, vector<16xf32>,
      %get3A_228 = arith.constant 3 : i32
      %get3A_229 = arith.index_cast %get3A_228 : i32 to index
      %get3A_230 = arith.index_cast %add3A_218 : i32 to index
      %get3A_231 = tpu.vector_load %arg10[%get3A_229, %get3A_230] {strides = array<i32>} : memref<8x4096xf32, #tpu.memory_space<vmem>>, vector<16xf32>,
      %sub3A_232 = arith.subf %gather3A_223, %get3A_231 : vector<16xf32>
      %mul3A_233 = arith.mulf %sub3A_232, %sub3A_232 : vector<16xf32>
      %add3A_234 = arith.addf %add3A_214, %mul3A_233 : vector<16xf32>
      scf.yield %add3A_234 : vector<16xf32>
    }
    %scan3A_50 = arith.constant 32 : i32
    %scan3A_51 = arith.constant 0 : i32
    %scan3A_52 = arith.constant 32 : i32
    %scan3A_53 = arith.addi %scan3A_51, %scan3A_52 : i32
    %scan3A_54 = arith.constant 1 : i32
    %scan3A_55 = scf.for %scan3A_76 = %scan3A_51 to %scan3A_53 step %scan3A_54 iter_args(%scan3A_77 = %scan3A_49) -> (vector<16xf32>)  : i32 {
      %mul3A_78 = arith.constant 128 : i32
      %mul3A_79 = arith.muli %scan3A_76, %mul3A_78 : i32
      %add3A_80 = arith.constant 0 : i32
      %add3A_81 = arith.addi %mul3A_79, %add3A_80 : i32
      %add3A_82 = arith.constant 16384 : i32
      %add3A_83 = arith.addi %add3A_82, %add3A_81 : i32
      %get3A = arith.index_cast %add3A_83 : i32 to index
      %get3A_84 = tpu.vector_load %arg7[%get3A] {strides = array<i32>} : memref<32768xi32, #tpu.memory_space<vmem>>, vector<16xi32>,
      %gather3A = tpu.vector_load_idx %arg8[%get3A_84] : memref<8192xf32, #tpu.memory_space<vmem>>[vector<16xi32>], vector<16xf32>,
      %swap3A_85 = arith.constant 4 : i32
      %swap3A_86 = arith.index_cast %swap3A_85 : i32 to index
      %swap3A_87 = arith.index_cast %add3A_81 : i32 to index
      %swap3A_88 = tpu.vector_load %arg9[%swap3A_86, %swap3A_87] {strides = array<i32>} : memref<8x4096xf32, #tpu.memory_space<vmem>>, vector<16xf32>,
      tpu.vector_store %arg9[%swap3A_86, %swap3A_87], %gather3A {strides = array<i32>} : memref<8x4096xf32, #tpu.memory_space<vmem>>, vector<16xf32>,
      %get3A_89 = arith.constant 4 : i32
      %get3A_90 = arith.index_cast %get3A_89 : i32 to index
      %get3A_91 = arith.index_cast %add3A_81 : i32 to index
      %get3A_92 = tpu.vector_load %arg10[%get3A_90, %get3A_91] {strides = array<i32>} : memref<8x4096xf32, #tpu.memory_space<vmem>>, vector<16xf32>,
      %sub3A = arith.subf %gather3A, %get3A_92 : vector<16xf32>
      %mul3A_93 = arith.mulf %sub3A, %sub3A : vector<16xf32>
      %add3A_94 = arith.addf %scan3A_77, %mul3A_93 : vector<16xf32>
      %mul3A_95 = arith.constant 128 : i32
      %mul3A_96 = arith.muli %scan3A_76, %mul3A_95 : i32
      %add3A_97 = arith.constant 16 : i32
      %add3A_98 = arith.addi %mul3A_96, %add3A_97 : i32
      %add3A_99 = arith.constant 16384 : i32
      %add3A_100 = arith.addi %add3A_99, %add3A_98 : i32
      %get3A_101 = arith.index_cast %add3A_100 : i32 to index
      %get3A_102 = tpu.vector_load %arg7[%get3A_101] {strides = array<i32>} : memref<32768xi32, #tpu.memory_space<vmem>>, vector<16xi32>,
      %gather3A_103 = tpu.vector_load_idx %arg8[%get3A_102] : memref<8192xf32, #tpu.memory_space<vmem>>[vector<16xi32>], vector<16xf32>,
      %swap3A_104 = arith.constant 4 : i32
      %swap3A_105 = arith.index_cast %swap3A_104 : i32 to index
      %swap3A_106 = arith.index_cast %add3A_98 : i32 to index
      %swap3A_107 = tpu.vector_load %arg9[%swap3A_105, %swap3A_106] {strides = array<i32>} : memref<8x4096xf32, #tpu.memory_space<vmem>>, vector<16xf32>,
      tpu.vector_store %arg9[%swap3A_105, %swap3A_106], %gather3A_103 {strides = array<i32>} : memref<8x4096xf32, #tpu.memory_space<vmem>>, vector<16xf32>,
      %get3A_108 = arith.constant 4 : i32
      %get3A_109 = arith.index_cast %get3A_108 : i32 to index
      %get3A_110 = arith.index_cast %add3A_98 : i32 to index
      %get3A_111 = tpu.vector_load %arg10[%get3A_109, %get3A_110] {strides = array<i32>} : memref<8x4096xf32, #tpu.memory_space<vmem>>, vector<16xf32>,
      %sub3A_112 = arith.subf %gather3A_103, %get3A_111 : vector<16xf32>
      %mul3A_113 = arith.mulf %sub3A_112, %sub3A_112 : vector<16xf32>
      %add3A_114 = arith.addf %add3A_94, %mul3A_113 : vector<16xf32>
      %mul3A_115 = arith.constant 128 : i32
      %mul3A_116 = arith.muli %scan3A_76, %mul3A_115 : i32
      %add3A_117 = arith.constant 32 : i32
      %add3A_118 = arith.addi %mul3A_116, %add3A_117 : i32
      %add3A_119 = arith.constant 16384 : i32
      %add3A_120 = arith.addi %add3A_119, %add3A_118 : i32
      %get3A_121 = arith.index_cast %add3A_120 : i32 to index
      %get3A_122 = tpu.vector_load %arg7[%get3A_121] {strides = array<i32>} : memref<32768xi32, #tpu.memory_space<vmem>>, vector<16xi32>,
      %gather3A_123 = tpu.vector_load_idx %arg8[%get3A_122] : memref<8192xf32, #tpu.memory_space<vmem>>[vector<16xi32>], vector<16xf32>,
      %swap3A_124 = arith.constant 4 : i32
      %swap3A_125 = arith.index_cast %swap3A_124 : i32 to index
      %swap3A_126 = arith.index_cast %add3A_118 : i32 to index
      %swap3A_127 = tpu.vector_load %arg9[%swap3A_125, %swap3A_126] {strides = array<i32>} : memref<8x4096xf32, #tpu.memory_space<vmem>>, vector<16xf32>,
      tpu.vector_store %arg9[%swap3A_125, %swap3A_126], %gather3A_123 {strides = array<i32>} : memref<8x4096xf32, #tpu.memory_space<vmem>>, vector<16xf32>,
      %get3A_128 = arith.constant 4 : i32
      %get3A_129 = arith.index_cast %get3A_128 : i32 to index
      %get3A_130 = arith.index_cast %add3A_118 : i32 to index
      %get3A_131 = tpu.vector_load %arg10[%get3A_129, %get3A_130] {strides = array<i32>} : memref<8x4096xf32, #tpu.memory_space<vmem>>, vector<16xf32>,
      %sub3A_132 = arith.subf %gather3A_123, %get3A_131 : vector<16xf32>
      %mul3A_133 = arith.mulf %sub3A_132, %sub3A_132 : vector<16xf32>
      %add3A_134 = arith.addf %add3A_114, %mul3A_133 : vector<16xf32>
      %mul3A_135 = arith.constant 128 : i32
      %mul3A_136 = arith.muli %scan3A_76, %mul3A_135 : i32
      %add3A_137 = arith.constant 48 : i32
      %add3A_138 = arith.addi %mul3A_136, %add3A_137 : i32
      %add3A_139 = arith.constant 16384 : i32
      %add3A_140 = arith.addi %add3A_139, %add3A_138 : i32
      %get3A_141 = arith.index_cast %add3A_140 : i32 to index
      %get3A_142 = tpu.vector_load %arg7[%get3A_141] {strides = array<i32>} : memref<32768xi32, #tpu.memory_space<vmem>>, vector<16xi32>,
      %gather3A_143 = tpu.vector_load_idx %arg8[%get3A_142] : memref<8192xf32, #tpu.memory_space<vmem>>[vector<16xi32>], vector<16xf32>,
      %swap3A_144 = arith.constant 4 : i32
      %swap3A_145 = arith.index_cast %swap3A_144 : i32 to index
      %swap3A_146 = arith.index_cast %add3A_138 : i32 to index
      %swap3A_147 = tpu.vector_load %arg9[%swap3A_145, %swap3A_146] {strides = array<i32>} : memref<8x4096xf32, #tpu.memory_space<vmem>>, vector<16xf32>,
      tpu.vector_store %arg9[%swap3A_145, %swap3A_146], %gather3A_143 {strides = array<i32>} : memref<8x4096xf32, #tpu.memory_space<vmem>>, vector<16xf32>,
      %get3A_148 = arith.constant 4 : i32
      %get3A_149 = arith.index_cast %get3A_148 : i32 to index
      %get3A_150 = arith.index_cast %add3A_138 : i32 to index
      %get3A_151 = tpu.vector_load %arg10[%get3A_149, %get3A_150] {strides = array<i32>} : memref<8x4096xf32, #tpu.memory_space<vmem>>, vector<16xf32>,
      %sub3A_152 = arith.subf %gather3A_143, %get3A_151 : vector<16xf32>
      %mul3A_153 = arith.mulf %sub3A_152, %sub3A_152 : vector<16xf32>
      %add3A_154 = arith.addf %add3A_134, %mul3A_153 : vector<16xf32>
      %mul3A_155 = arith.constant 128 : i32
      %mul3A_156 = arith.muli %scan3A_76, %mul3A_155 : i32
      %add3A_157 = arith.constant 64 : i32
      %add3A_158 = arith.addi %mul3A_156, %add3A_157 : i32
      %add3A_159 = arith.constant 16384 : i32
      %add3A_160 = arith.addi %add3A_159, %add3A_158 : i32
      %get3A_161 = arith.index_cast %add3A_160 : i32 to index
      %get3A_162 = tpu.vector_load %arg7[%get3A_161] {strides = array<i32>} : memref<32768xi32, #tpu.memory_space<vmem>>, vector<16xi32>,
      %gather3A_163 = tpu.vector_load_idx %arg8[%get3A_162] : memref<8192xf32, #tpu.memory_space<vmem>>[vector<16xi32>], vector<16xf32>,
      %swap3A_164 = arith.constant 4 : i32
      %swap3A_165 = arith.index_cast %swap3A_164 : i32 to index
      %swap3A_166 = arith.index_cast %add3A_158 : i32 to index
      %swap3A_167 = tpu.vector_load %arg9[%swap3A_165, %swap3A_166] {strides = array<i32>} : memref<8x4096xf32, #tpu.memory_space<vmem>>, vector<16xf32>,
      tpu.vector_store %arg9[%swap3A_165, %swap3A_166], %gather3A_163 {strides = array<i32>} : memref<8x4096xf32, #tpu.memory_space<vmem>>, vector<16xf32>,
      %get3A_168 = arith.constant 4 : i32
      %get3A_169 = arith.index_cast %get3A_168 : i32 to index
      %get3A_170 = arith.index_cast %add3A_158 : i32 to index
      %get3A_171 = tpu.vector_load %arg10[%get3A_169, %get3A_170] {strides = array<i32>} : memref<8x4096xf32, #tpu.memory_space<vmem>>, vector<16xf32>,
      %sub3A_172 = arith.subf %gather3A_163, %get3A_171 : vector<16xf32>
      %mul3A_173 = arith.mulf %sub3A_172, %sub3A_172 : vector<16xf32>
      %add3A_174 = arith.addf %add3A_154, %mul3A_173 : vector<16xf32>
      %mul3A_175 = arith.constant 128 : i32
      %mul3A_176 = arith.muli %scan3A_76, %mul3A_175 : i32
      %add3A_177 = arith.constant 80 : i32
      %add3A_178 = arith.addi %mul3A_176, %add3A_177 : i32
      %add3A_179 = arith.constant 16384 : i32
      %add3A_180 = arith.addi %add3A_179, %add3A_178 : i32
      %get3A_181 = arith.index_cast %add3A_180 : i32 to index
      %get3A_182 = tpu.vector_load %arg7[%get3A_181] {strides = array<i32>} : memref<32768xi32, #tpu.memory_space<vmem>>, vector<16xi32>,
      %gather3A_183 = tpu.vector_load_idx %arg8[%get3A_182] : memref<8192xf32, #tpu.memory_space<vmem>>[vector<16xi32>], vector<16xf32>,
      %swap3A_184 = arith.constant 4 : i32
      %swap3A_185 = arith.index_cast %swap3A_184 : i32 to index
      %swap3A_186 = arith.index_cast %add3A_178 : i32 to index
      %swap3A_187 = tpu.vector_load %arg9[%swap3A_185, %swap3A_186] {strides = array<i32>} : memref<8x4096xf32, #tpu.memory_space<vmem>>, vector<16xf32>,
      tpu.vector_store %arg9[%swap3A_185, %swap3A_186], %gather3A_183 {strides = array<i32>} : memref<8x4096xf32, #tpu.memory_space<vmem>>, vector<16xf32>,
      %get3A_188 = arith.constant 4 : i32
      %get3A_189 = arith.index_cast %get3A_188 : i32 to index
      %get3A_190 = arith.index_cast %add3A_178 : i32 to index
      %get3A_191 = tpu.vector_load %arg10[%get3A_189, %get3A_190] {strides = array<i32>} : memref<8x4096xf32, #tpu.memory_space<vmem>>, vector<16xf32>,
      %sub3A_192 = arith.subf %gather3A_183, %get3A_191 : vector<16xf32>
      %mul3A_193 = arith.mulf %sub3A_192, %sub3A_192 : vector<16xf32>
      %add3A_194 = arith.addf %add3A_174, %mul3A_193 : vector<16xf32>
      %mul3A_195 = arith.constant 128 : i32
      %mul3A_196 = arith.muli %scan3A_76, %mul3A_195 : i32
      %add3A_197 = arith.constant 96 : i32
      %add3A_198 = arith.addi %mul3A_196, %add3A_197 : i32
      %add3A_199 = arith.constant 16384 : i32
      %add3A_200 = arith.addi %add3A_199, %add3A_198 : i32
      %get3A_201 = arith.index_cast %add3A_200 : i32 to index
      %get3A_202 = tpu.vector_load %arg7[%get3A_201] {strides = array<i32>} : memref<32768xi32, #tpu.memory_space<vmem>>, vector<16xi32>,
      %gather3A_203 = tpu.vector_load_idx %arg8[%get3A_202] : memref<8192xf32, #tpu.memory_space<vmem>>[vector<16xi32>], vector<16xf32>,
      %swap3A_204 = arith.constant 4 : i32
      %swap3A_205 = arith.index_cast %swap3A_204 : i32 to index
      %swap3A_206 = arith.index_cast %add3A_198 : i32 to index
      %swap3A_207 = tpu.vector_load %arg9[%swap3A_205, %swap3A_206] {strides = array<i32>} : memref<8x4096xf32, #tpu.memory_space<vmem>>, vector<16xf32>,
      tpu.vector_store %arg9[%swap3A_205, %swap3A_206], %gather3A_203 {strides = array<i32>} : memref<8x4096xf32, #tpu.memory_space<vmem>>, vector<16xf32>,
      %get3A_208 = arith.constant 4 : i32
      %get3A_209 = arith.index_cast %get3A_208 : i32 to index
      %get3A_210 = arith.index_cast %add3A_198 : i32 to index
      %get3A_211 = tpu.vector_load %arg10[%get3A_209, %get3A_210] {strides = array<i32>} : memref<8x4096xf32, #tpu.memory_space<vmem>>, vector<16xf32>,
      %sub3A_212 = arith.subf %gather3A_203, %get3A_211 : vector<16xf32>
      %mul3A_213 = arith.mulf %sub3A_212, %sub3A_212 : vector<16xf32>
      %add3A_214 = arith.addf %add3A_194, %mul3A_213 : vector<16xf32>
      %mul3A_215 = arith.constant 128 : i32
      %mul3A_216 = arith.muli %scan3A_76, %mul3A_215 : i32
      %add3A_217 = arith.constant 112 : i32
      %add3A_218 = arith.addi %mul3A_216, %add3A_217 : i32
      %add3A_219 = arith.constant 16384 : i32
      %add3A_220 = arith.addi %add3A_219, %add3A_218 : i32
      %get3A_221 = arith.index_cast %add3A_220 : i32 to index
      %get3A_222 = tpu.vector_load %arg7[%get3A_221] {strides = array<i32>} : memref<32768xi32, #tpu.memory_space<vmem>>, vector<16xi32>,
      %gather3A_223 = tpu.vector_load_idx %arg8[%get3A_222] : memref<8192xf32, #tpu.memory_space<vmem>>[vector<16xi32>], vector<16xf32>,
      %swap3A_224 = arith.constant 4 : i32
      %swap3A_225 = arith.index_cast %swap3A_224 : i32 to index
      %swap3A_226 = arith.index_cast %add3A_218 : i32 to index
      %swap3A_227 = tpu.vector_load %arg9[%swap3A_225, %swap3A_226] {strides = array<i32>} : memref<8x4096xf32, #tpu.memory_space<vmem>>, vector<16xf32>,
      tpu.vector_store %arg9[%swap3A_225, %swap3A_226], %gather3A_223 {strides = array<i32>} : memref<8x4096xf32, #tpu.memory_space<vmem>>, vector<16xf32>,
      %get3A_228 = arith.constant 4 : i32
      %get3A_229 = arith.index_cast %get3A_228 : i32 to index
      %get3A_230 = arith.index_cast %add3A_218 : i32 to index
      %get3A_231 = tpu.vector_load %arg10[%get3A_229, %get3A_230] {strides = array<i32>} : memref<8x4096xf32, #tpu.memory_space<vmem>>, vector<16xf32>,
      %sub3A_232 = arith.subf %gather3A_223, %get3A_231 : vector<16xf32>
      %mul3A_233 = arith.mulf %sub3A_232, %sub3A_232 : vector<16xf32>
      %add3A_234 = arith.addf %add3A_214, %mul3A_233 : vector<16xf32>
      scf.yield %add3A_234 : vector<16xf32>
    }
    %scan3A_56 = arith.constant 32 : i32
    %scan3A_57 = arith.constant 0 : i32
    %scan3A_58 = arith.constant 32 : i32
    %scan3A_59 = arith.addi %scan3A_57, %scan3A_58 : i32
    %scan3A_60 = arith.constant 1 : i32
    %scan3A_61 = scf.for %scan3A_76 = %scan3A_57 to %scan3A_59 step %scan3A_60 iter_args(%scan3A_77 = %scan3A_55) -> (vector<16xf32>)  : i32 {
      %mul3A_78 = arith.constant 128 : i32
      %mul3A_79 = arith.muli %scan3A_76, %mul3A_78 : i32
      %add3A_80 = arith.constant 0 : i32
      %add3A_81 = arith.addi %mul3A_79, %add3A_80 : i32
      %add3A_82 = arith.constant 20480 : i32
      %add3A_83 = arith.addi %add3A_82, %add3A_81 : i32
      %get3A = arith.index_cast %add3A_83 : i32 to index
      %get3A_84 = tpu.vector_load %arg7[%get3A] {strides = array<i32>} : memref<32768xi32, #tpu.memory_space<vmem>>, vector<16xi32>,
      %gather3A = tpu.vector_load_idx %arg8[%get3A_84] : memref<8192xf32, #tpu.memory_space<vmem>>[vector<16xi32>], vector<16xf32>,
      %swap3A_85 = arith.constant 5 : i32
      %swap3A_86 = arith.index_cast %swap3A_85 : i32 to index
      %swap3A_87 = arith.index_cast %add3A_81 : i32 to index
      %swap3A_88 = tpu.vector_load %arg9[%swap3A_86, %swap3A_87] {strides = array<i32>} : memref<8x4096xf32, #tpu.memory_space<vmem>>, vector<16xf32>,
      tpu.vector_store %arg9[%swap3A_86, %swap3A_87], %gather3A {strides = array<i32>} : memref<8x4096xf32, #tpu.memory_space<vmem>>, vector<16xf32>,
      %get3A_89 = arith.constant 5 : i32
      %get3A_90 = arith.index_cast %get3A_89 : i32 to index
      %get3A_91 = arith.index_cast %add3A_81 : i32 to index
      %get3A_92 = tpu.vector_load %arg10[%get3A_90, %get3A_91] {strides = array<i32>} : memref<8x4096xf32, #tpu.memory_space<vmem>>, vector<16xf32>,
      %sub3A = arith.subf %gather3A, %get3A_92 : vector<16xf32>
      %mul3A_93 = arith.mulf %sub3A, %sub3A : vector<16xf32>
      %add3A_94 = arith.addf %scan3A_77, %mul3A_93 : vector<16xf32>
      %mul3A_95 = arith.constant 128 : i32
      %mul3A_96 = arith.muli %scan3A_76, %mul3A_95 : i32
      %add3A_97 = arith.constant 16 : i32
      %add3A_98 = arith.addi %mul3A_96, %add3A_97 : i32
      %add3A_99 = arith.constant 20480 : i32
      %add3A_100 = arith.addi %add3A_99, %add3A_98 : i32
      %get3A_101 = arith.index_cast %add3A_100 : i32 to index
      %get3A_102 = tpu.vector_load %arg7[%get3A_101] {strides = array<i32>} : memref<32768xi32, #tpu.memory_space<vmem>>, vector<16xi32>,
      %gather3A_103 = tpu.vector_load_idx %arg8[%get3A_102] : memref<8192xf32, #tpu.memory_space<vmem>>[vector<16xi32>], vector<16xf32>,
      %swap3A_104 = arith.constant 5 : i32
      %swap3A_105 = arith.index_cast %swap3A_104 : i32 to index
      %swap3A_106 = arith.index_cast %add3A_98 : i32 to index
      %swap3A_107 = tpu.vector_load %arg9[%swap3A_105, %swap3A_106] {strides = array<i32>} : memref<8x4096xf32, #tpu.memory_space<vmem>>, vector<16xf32>,
      tpu.vector_store %arg9[%swap3A_105, %swap3A_106], %gather3A_103 {strides = array<i32>} : memref<8x4096xf32, #tpu.memory_space<vmem>>, vector<16xf32>,
      %get3A_108 = arith.constant 5 : i32
      %get3A_109 = arith.index_cast %get3A_108 : i32 to index
      %get3A_110 = arith.index_cast %add3A_98 : i32 to index
      %get3A_111 = tpu.vector_load %arg10[%get3A_109, %get3A_110] {strides = array<i32>} : memref<8x4096xf32, #tpu.memory_space<vmem>>, vector<16xf32>,
      %sub3A_112 = arith.subf %gather3A_103, %get3A_111 : vector<16xf32>
      %mul3A_113 = arith.mulf %sub3A_112, %sub3A_112 : vector<16xf32>
      %add3A_114 = arith.addf %add3A_94, %mul3A_113 : vector<16xf32>
      %mul3A_115 = arith.constant 128 : i32
      %mul3A_116 = arith.muli %scan3A_76, %mul3A_115 : i32
      %add3A_117 = arith.constant 32 : i32
      %add3A_118 = arith.addi %mul3A_116, %add3A_117 : i32
      %add3A_119 = arith.constant 20480 : i32
      %add3A_120 = arith.addi %add3A_119, %add3A_118 : i32
      %get3A_121 = arith.index_cast %add3A_120 : i32 to index
      %get3A_122 = tpu.vector_load %arg7[%get3A_121] {strides = array<i32>} : memref<32768xi32, #tpu.memory_space<vmem>>, vector<16xi32>,
      %gather3A_123 = tpu.vector_load_idx %arg8[%get3A_122] : memref<8192xf32, #tpu.memory_space<vmem>>[vector<16xi32>], vector<16xf32>,
      %swap3A_124 = arith.constant 5 : i32
      %swap3A_125 = arith.index_cast %swap3A_124 : i32 to index
      %swap3A_126 = arith.index_cast %add3A_118 : i32 to index
      %swap3A_127 = tpu.vector_load %arg9[%swap3A_125, %swap3A_126] {strides = array<i32>} : memref<8x4096xf32, #tpu.memory_space<vmem>>, vector<16xf32>,
      tpu.vector_store %arg9[%swap3A_125, %swap3A_126], %gather3A_123 {strides = array<i32>} : memref<8x4096xf32, #tpu.memory_space<vmem>>, vector<16xf32>,
      %get3A_128 = arith.constant 5 : i32
      %get3A_129 = arith.index_cast %get3A_128 : i32 to index
      %get3A_130 = arith.index_cast %add3A_118 : i32 to index
      %get3A_131 = tpu.vector_load %arg10[%get3A_129, %get3A_130] {strides = array<i32>} : memref<8x4096xf32, #tpu.memory_space<vmem>>, vector<16xf32>,
      %sub3A_132 = arith.subf %gather3A_123, %get3A_131 : vector<16xf32>
      %mul3A_133 = arith.mulf %sub3A_132, %sub3A_132 : vector<16xf32>
      %add3A_134 = arith.addf %add3A_114, %mul3A_133 : vector<16xf32>
      %mul3A_135 = arith.constant 128 : i32
      %mul3A_136 = arith.muli %scan3A_76, %mul3A_135 : i32
      %add3A_137 = arith.constant 48 : i32
      %add3A_138 = arith.addi %mul3A_136, %add3A_137 : i32
      %add3A_139 = arith.constant 20480 : i32
      %add3A_140 = arith.addi %add3A_139, %add3A_138 : i32
      %get3A_141 = arith.index_cast %add3A_140 : i32 to index
      %get3A_142 = tpu.vector_load %arg7[%get3A_141] {strides = array<i32>} : memref<32768xi32, #tpu.memory_space<vmem>>, vector<16xi32>,
      %gather3A_143 = tpu.vector_load_idx %arg8[%get3A_142] : memref<8192xf32, #tpu.memory_space<vmem>>[vector<16xi32>], vector<16xf32>,
      %swap3A_144 = arith.constant 5 : i32
      %swap3A_145 = arith.index_cast %swap3A_144 : i32 to index
      %swap3A_146 = arith.index_cast %add3A_138 : i32 to index
      %swap3A_147 = tpu.vector_load %arg9[%swap3A_145, %swap3A_146] {strides = array<i32>} : memref<8x4096xf32, #tpu.memory_space<vmem>>, vector<16xf32>,
      tpu.vector_store %arg9[%swap3A_145, %swap3A_146], %gather3A_143 {strides = array<i32>} : memref<8x4096xf32, #tpu.memory_space<vmem>>, vector<16xf32>,
      %get3A_148 = arith.constant 5 : i32
      %get3A_149 = arith.index_cast %get3A_148 : i32 to index
      %get3A_150 = arith.index_cast %add3A_138 : i32 to index
      %get3A_151 = tpu.vector_load %arg10[%get3A_149, %get3A_150] {strides = array<i32>} : memref<8x4096xf32, #tpu.memory_space<vmem>>, vector<16xf32>,
      %sub3A_152 = arith.subf %gather3A_143, %get3A_151 : vector<16xf32>
      %mul3A_153 = arith.mulf %sub3A_152, %sub3A_152 : vector<16xf32>
      %add3A_154 = arith.addf %add3A_134, %mul3A_153 : vector<16xf32>
      %mul3A_155 = arith.constant 128 : i32
      %mul3A_156 = arith.muli %scan3A_76, %mul3A_155 : i32
      %add3A_157 = arith.constant 64 : i32
      %add3A_158 = arith.addi %mul3A_156, %add3A_157 : i32
      %add3A_159 = arith.constant 20480 : i32
      %add3A_160 = arith.addi %add3A_159, %add3A_158 : i32
      %get3A_161 = arith.index_cast %add3A_160 : i32 to index
      %get3A_162 = tpu.vector_load %arg7[%get3A_161] {strides = array<i32>} : memref<32768xi32, #tpu.memory_space<vmem>>, vector<16xi32>,
      %gather3A_163 = tpu.vector_load_idx %arg8[%get3A_162] : memref<8192xf32, #tpu.memory_space<vmem>>[vector<16xi32>], vector<16xf32>,
      %swap3A_164 = arith.constant 5 : i32
      %swap3A_165 = arith.index_cast %swap3A_164 : i32 to index
      %swap3A_166 = arith.index_cast %add3A_158 : i32 to index
      %swap3A_167 = tpu.vector_load %arg9[%swap3A_165, %swap3A_166] {strides = array<i32>} : memref<8x4096xf32, #tpu.memory_space<vmem>>, vector<16xf32>,
      tpu.vector_store %arg9[%swap3A_165, %swap3A_166], %gather3A_163 {strides = array<i32>} : memref<8x4096xf32, #tpu.memory_space<vmem>>, vector<16xf32>,
      %get3A_168 = arith.constant 5 : i32
      %get3A_169 = arith.index_cast %get3A_168 : i32 to index
      %get3A_170 = arith.index_cast %add3A_158 : i32 to index
      %get3A_171 = tpu.vector_load %arg10[%get3A_169, %get3A_170] {strides = array<i32>} : memref<8x4096xf32, #tpu.memory_space<vmem>>, vector<16xf32>,
      %sub3A_172 = arith.subf %gather3A_163, %get3A_171 : vector<16xf32>
      %mul3A_173 = arith.mulf %sub3A_172, %sub3A_172 : vector<16xf32>
      %add3A_174 = arith.addf %add3A_154, %mul3A_173 : vector<16xf32>
      %mul3A_175 = arith.constant 128 : i32
      %mul3A_176 = arith.muli %scan3A_76, %mul3A_175 : i32
      %add3A_177 = arith.constant 80 : i32
      %add3A_178 = arith.addi %mul3A_176, %add3A_177 : i32
      %add3A_179 = arith.constant 20480 : i32
      %add3A_180 = arith.addi %add3A_179, %add3A_178 : i32
      %get3A_181 = arith.index_cast %add3A_180 : i32 to index
      %get3A_182 = tpu.vector_load %arg7[%get3A_181] {strides = array<i32>} : memref<32768xi32, #tpu.memory_space<vmem>>, vector<16xi32>,
      %gather3A_183 = tpu.vector_load_idx %arg8[%get3A_182] : memref<8192xf32, #tpu.memory_space<vmem>>[vector<16xi32>], vector<16xf32>,
      %swap3A_184 = arith.constant 5 : i32
      %swap3A_185 = arith.index_cast %swap3A_184 : i32 to index
      %swap3A_186 = arith.index_cast %add3A_178 : i32 to index
      %swap3A_187 = tpu.vector_load %arg9[%swap3A_185, %swap3A_186] {strides = array<i32>} : memref<8x4096xf32, #tpu.memory_space<vmem>>, vector<16xf32>,
      tpu.vector_store %arg9[%swap3A_185, %swap3A_186], %gather3A_183 {strides = array<i32>} : memref<8x4096xf32, #tpu.memory_space<vmem>>, vector<16xf32>,
      %get3A_188 = arith.constant 5 : i32
      %get3A_189 = arith.index_cast %get3A_188 : i32 to index
      %get3A_190 = arith.index_cast %add3A_178 : i32 to index
      %get3A_191 = tpu.vector_load %arg10[%get3A_189, %get3A_190] {strides = array<i32>} : memref<8x4096xf32, #tpu.memory_space<vmem>>, vector<16xf32>,
      %sub3A_192 = arith.subf %gather3A_183, %get3A_191 : vector<16xf32>
      %mul3A_193 = arith.mulf %sub3A_192, %sub3A_192 : vector<16xf32>
      %add3A_194 = arith.addf %add3A_174, %mul3A_193 : vector<16xf32>
      %mul3A_195 = arith.constant 128 : i32
      %mul3A_196 = arith.muli %scan3A_76, %mul3A_195 : i32
      %add3A_197 = arith.constant 96 : i32
      %add3A_198 = arith.addi %mul3A_196, %add3A_197 : i32
      %add3A_199 = arith.constant 20480 : i32
      %add3A_200 = arith.addi %add3A_199, %add3A_198 : i32
      %get3A_201 = arith.index_cast %add3A_200 : i32 to index
      %get3A_202 = tpu.vector_load %arg7[%get3A_201] {strides = array<i32>} : memref<32768xi32, #tpu.memory_space<vmem>>, vector<16xi32>,
      %gather3A_203 = tpu.vector_load_idx %arg8[%get3A_202] : memref<8192xf32, #tpu.memory_space<vmem>>[vector<16xi32>], vector<16xf32>,
      %swap3A_204 = arith.constant 5 : i32
      %swap3A_205 = arith.index_cast %swap3A_204 : i32 to index
      %swap3A_206 = arith.index_cast %add3A_198 : i32 to index
      %swap3A_207 = tpu.vector_load %arg9[%swap3A_205, %swap3A_206] {strides = array<i32>} : memref<8x4096xf32, #tpu.memory_space<vmem>>, vector<16xf32>,
      tpu.vector_store %arg9[%swap3A_205, %swap3A_206], %gather3A_203 {strides = array<i32>} : memref<8x4096xf32, #tpu.memory_space<vmem>>, vector<16xf32>,
      %get3A_208 = arith.constant 5 : i32
      %get3A_209 = arith.index_cast %get3A_208 : i32 to index
      %get3A_210 = arith.index_cast %add3A_198 : i32 to index
      %get3A_211 = tpu.vector_load %arg10[%get3A_209, %get3A_210] {strides = array<i32>} : memref<8x4096xf32, #tpu.memory_space<vmem>>, vector<16xf32>,
      %sub3A_212 = arith.subf %gather3A_203, %get3A_211 : vector<16xf32>
      %mul3A_213 = arith.mulf %sub3A_212, %sub3A_212 : vector<16xf32>
      %add3A_214 = arith.addf %add3A_194, %mul3A_213 : vector<16xf32>
      %mul3A_215 = arith.constant 128 : i32
      %mul3A_216 = arith.muli %scan3A_76, %mul3A_215 : i32
      %add3A_217 = arith.constant 112 : i32
      %add3A_218 = arith.addi %mul3A_216, %add3A_217 : i32
      %add3A_219 = arith.constant 20480 : i32
      %add3A_220 = arith.addi %add3A_219, %add3A_218 : i32
      %get3A_221 = arith.index_cast %add3A_220 : i32 to index
      %get3A_222 = tpu.vector_load %arg7[%get3A_221] {strides = array<i32>} : memref<32768xi32, #tpu.memory_space<vmem>>, vector<16xi32>,
      %gather3A_223 = tpu.vector_load_idx %arg8[%get3A_222] : memref<8192xf32, #tpu.memory_space<vmem>>[vector<16xi32>], vector<16xf32>,
      %swap3A_224 = arith.constant 5 : i32
      %swap3A_225 = arith.index_cast %swap3A_224 : i32 to index
      %swap3A_226 = arith.index_cast %add3A_218 : i32 to index
      %swap3A_227 = tpu.vector_load %arg9[%swap3A_225, %swap3A_226] {strides = array<i32>} : memref<8x4096xf32, #tpu.memory_space<vmem>>, vector<16xf32>,
      tpu.vector_store %arg9[%swap3A_225, %swap3A_226], %gather3A_223 {strides = array<i32>} : memref<8x4096xf32, #tpu.memory_space<vmem>>, vector<16xf32>,
      %get3A_228 = arith.constant 5 : i32
      %get3A_229 = arith.index_cast %get3A_228 : i32 to index
      %get3A_230 = arith.index_cast %add3A_218 : i32 to index
      %get3A_231 = tpu.vector_load %arg10[%get3A_229, %get3A_230] {strides = array<i32>} : memref<8x4096xf32, #tpu.memory_space<vmem>>, vector<16xf32>,
      %sub3A_232 = arith.subf %gather3A_223, %get3A_231 : vector<16xf32>
      %mul3A_233 = arith.mulf %sub3A_232, %sub3A_232 : vector<16xf32>
      %add3A_234 = arith.addf %add3A_214, %mul3A_233 : vector<16xf32>
      scf.yield %add3A_234 : vector<16xf32>
    }
    %scan3A_62 = arith.constant 32 : i32
    %scan3A_63 = arith.constant 0 : i32
    %scan3A_64 = arith.constant 32 : i32
    %scan3A_65 = arith.addi %scan3A_63, %scan3A_64 : i32
    %scan3A_66 = arith.constant 1 : i32
    %scan3A_67 = scf.for %scan3A_76 = %scan3A_63 to %scan3A_65 step %scan3A_66 iter_args(%scan3A_77 = %scan3A_61) -> (vector<16xf32>)  : i32 {
      %mul3A_78 = arith.constant 128 : i32
      %mul3A_79 = arith.muli %scan3A_76, %mul3A_78 : i32
      %add3A_80 = arith.constant 0 : i32
      %add3A_81 = arith.addi %mul3A_79, %add3A_80 : i32
      %add3A_82 = arith.constant 24576 : i32
      %add3A_83 = arith.addi %add3A_82, %add3A_81 : i32
      %get3A = arith.index_cast %add3A_83 : i32 to index
      %get3A_84 = tpu.vector_load %arg7[%get3A] {strides = array<i32>} : memref<32768xi32, #tpu.memory_space<vmem>>, vector<16xi32>,
      %gather3A = tpu.vector_load_idx %arg8[%get3A_84] : memref<8192xf32, #tpu.memory_space<vmem>>[vector<16xi32>], vector<16xf32>,
      %swap3A_85 = arith.constant 6 : i32
      %swap3A_86 = arith.index_cast %swap3A_85 : i32 to index
      %swap3A_87 = arith.index_cast %add3A_81 : i32 to index
      %swap3A_88 = tpu.vector_load %arg9[%swap3A_86, %swap3A_87] {strides = array<i32>} : memref<8x4096xf32, #tpu.memory_space<vmem>>, vector<16xf32>,
      tpu.vector_store %arg9[%swap3A_86, %swap3A_87], %gather3A {strides = array<i32>} : memref<8x4096xf32, #tpu.memory_space<vmem>>, vector<16xf32>,
      %get3A_89 = arith.constant 6 : i32
      %get3A_90 = arith.index_cast %get3A_89 : i32 to index
      %get3A_91 = arith.index_cast %add3A_81 : i32 to index
      %get3A_92 = tpu.vector_load %arg10[%get3A_90, %get3A_91] {strides = array<i32>} : memref<8x4096xf32, #tpu.memory_space<vmem>>, vector<16xf32>,
      %sub3A = arith.subf %gather3A, %get3A_92 : vector<16xf32>
      %mul3A_93 = arith.mulf %sub3A, %sub3A : vector<16xf32>
      %add3A_94 = arith.addf %scan3A_77, %mul3A_93 : vector<16xf32>
      %mul3A_95 = arith.constant 128 : i32
      %mul3A_96 = arith.muli %scan3A_76, %mul3A_95 : i32
      %add3A_97 = arith.constant 16 : i32
      %add3A_98 = arith.addi %mul3A_96, %add3A_97 : i32
      %add3A_99 = arith.constant 24576 : i32
      %add3A_100 = arith.addi %add3A_99, %add3A_98 : i32
      %get3A_101 = arith.index_cast %add3A_100 : i32 to index
      %get3A_102 = tpu.vector_load %arg7[%get3A_101] {strides = array<i32>} : memref<32768xi32, #tpu.memory_space<vmem>>, vector<16xi32>,
      %gather3A_103 = tpu.vector_load_idx %arg8[%get3A_102] : memref<8192xf32, #tpu.memory_space<vmem>>[vector<16xi32>], vector<16xf32>,
      %swap3A_104 = arith.constant 6 : i32
      %swap3A_105 = arith.index_cast %swap3A_104 : i32 to index
      %swap3A_106 = arith.index_cast %add3A_98 : i32 to index
      %swap3A_107 = tpu.vector_load %arg9[%swap3A_105, %swap3A_106] {strides = array<i32>} : memref<8x4096xf32, #tpu.memory_space<vmem>>, vector<16xf32>,
      tpu.vector_store %arg9[%swap3A_105, %swap3A_106], %gather3A_103 {strides = array<i32>} : memref<8x4096xf32, #tpu.memory_space<vmem>>, vector<16xf32>,
      %get3A_108 = arith.constant 6 : i32
      %get3A_109 = arith.index_cast %get3A_108 : i32 to index
      %get3A_110 = arith.index_cast %add3A_98 : i32 to index
      %get3A_111 = tpu.vector_load %arg10[%get3A_109, %get3A_110] {strides = array<i32>} : memref<8x4096xf32, #tpu.memory_space<vmem>>, vector<16xf32>,
      %sub3A_112 = arith.subf %gather3A_103, %get3A_111 : vector<16xf32>
      %mul3A_113 = arith.mulf %sub3A_112, %sub3A_112 : vector<16xf32>
      %add3A_114 = arith.addf %add3A_94, %mul3A_113 : vector<16xf32>
      %mul3A_115 = arith.constant 128 : i32
      %mul3A_116 = arith.muli %scan3A_76, %mul3A_115 : i32
      %add3A_117 = arith.constant 32 : i32
      %add3A_118 = arith.addi %mul3A_116, %add3A_117 : i32
      %add3A_119 = arith.constant 24576 : i32
      %add3A_120 = arith.addi %add3A_119, %add3A_118 : i32
      %get3A_121 = arith.index_cast %add3A_120 : i32 to index
      %get3A_122 = tpu.vector_load %arg7[%get3A_121] {strides = array<i32>} : memref<32768xi32, #tpu.memory_space<vmem>>, vector<16xi32>,
      %gather3A_123 = tpu.vector_load_idx %arg8[%get3A_122] : memref<8192xf32, #tpu.memory_space<vmem>>[vector<16xi32>], vector<16xf32>,
      %swap3A_124 = arith.constant 6 : i32
      %swap3A_125 = arith.index_cast %swap3A_124 : i32 to index
      %swap3A_126 = arith.index_cast %add3A_118 : i32 to index
      %swap3A_127 = tpu.vector_load %arg9[%swap3A_125, %swap3A_126] {strides = array<i32>} : memref<8x4096xf32, #tpu.memory_space<vmem>>, vector<16xf32>,
      tpu.vector_store %arg9[%swap3A_125, %swap3A_126], %gather3A_123 {strides = array<i32>} : memref<8x4096xf32, #tpu.memory_space<vmem>>, vector<16xf32>,
      %get3A_128 = arith.constant 6 : i32
      %get3A_129 = arith.index_cast %get3A_128 : i32 to index
      %get3A_130 = arith.index_cast %add3A_118 : i32 to index
      %get3A_131 = tpu.vector_load %arg10[%get3A_129, %get3A_130] {strides = array<i32>} : memref<8x4096xf32, #tpu.memory_space<vmem>>, vector<16xf32>,
      %sub3A_132 = arith.subf %gather3A_123, %get3A_131 : vector<16xf32>
      %mul3A_133 = arith.mulf %sub3A_132, %sub3A_132 : vector<16xf32>
      %add3A_134 = arith.addf %add3A_114, %mul3A_133 : vector<16xf32>
      %mul3A_135 = arith.constant 128 : i32
      %mul3A_136 = arith.muli %scan3A_76, %mul3A_135 : i32
      %add3A_137 = arith.constant 48 : i32
      %add3A_138 = arith.addi %mul3A_136, %add3A_137 : i32
      %add3A_139 = arith.constant 24576 : i32
      %add3A_140 = arith.addi %add3A_139, %add3A_138 : i32
      %get3A_141 = arith.index_cast %add3A_140 : i32 to index
      %get3A_142 = tpu.vector_load %arg7[%get3A_141] {strides = array<i32>} : memref<32768xi32, #tpu.memory_space<vmem>>, vector<16xi32>,
      %gather3A_143 = tpu.vector_load_idx %arg8[%get3A_142] : memref<8192xf32, #tpu.memory_space<vmem>>[vector<16xi32>], vector<16xf32>,
      %swap3A_144 = arith.constant 6 : i32
      %swap3A_145 = arith.index_cast %swap3A_144 : i32 to index
      %swap3A_146 = arith.index_cast %add3A_138 : i32 to index
      %swap3A_147 = tpu.vector_load %arg9[%swap3A_145, %swap3A_146] {strides = array<i32>} : memref<8x4096xf32, #tpu.memory_space<vmem>>, vector<16xf32>,
      tpu.vector_store %arg9[%swap3A_145, %swap3A_146], %gather3A_143 {strides = array<i32>} : memref<8x4096xf32, #tpu.memory_space<vmem>>, vector<16xf32>,
      %get3A_148 = arith.constant 6 : i32
      %get3A_149 = arith.index_cast %get3A_148 : i32 to index
      %get3A_150 = arith.index_cast %add3A_138 : i32 to index
      %get3A_151 = tpu.vector_load %arg10[%get3A_149, %get3A_150] {strides = array<i32>} : memref<8x4096xf32, #tpu.memory_space<vmem>>, vector<16xf32>,
      %sub3A_152 = arith.subf %gather3A_143, %get3A_151 : vector<16xf32>
      %mul3A_153 = arith.mulf %sub3A_152, %sub3A_152 : vector<16xf32>
      %add3A_154 = arith.addf %add3A_134, %mul3A_153 : vector<16xf32>
      %mul3A_155 = arith.constant 128 : i32
      %mul3A_156 = arith.muli %scan3A_76, %mul3A_155 : i32
      %add3A_157 = arith.constant 64 : i32
      %add3A_158 = arith.addi %mul3A_156, %add3A_157 : i32
      %add3A_159 = arith.constant 24576 : i32
      %add3A_160 = arith.addi %add3A_159, %add3A_158 : i32
      %get3A_161 = arith.index_cast %add3A_160 : i32 to index
      %get3A_162 = tpu.vector_load %arg7[%get3A_161] {strides = array<i32>} : memref<32768xi32, #tpu.memory_space<vmem>>, vector<16xi32>,
      %gather3A_163 = tpu.vector_load_idx %arg8[%get3A_162] : memref<8192xf32, #tpu.memory_space<vmem>>[vector<16xi32>], vector<16xf32>,
      %swap3A_164 = arith.constant 6 : i32
      %swap3A_165 = arith.index_cast %swap3A_164 : i32 to index
      %swap3A_166 = arith.index_cast %add3A_158 : i32 to index
      %swap3A_167 = tpu.vector_load %arg9[%swap3A_165, %swap3A_166] {strides = array<i32>} : memref<8x4096xf32, #tpu.memory_space<vmem>>, vector<16xf32>,
      tpu.vector_store %arg9[%swap3A_165, %swap3A_166], %gather3A_163 {strides = array<i32>} : memref<8x4096xf32, #tpu.memory_space<vmem>>, vector<16xf32>,
      %get3A_168 = arith.constant 6 : i32
      %get3A_169 = arith.index_cast %get3A_168 : i32 to index
      %get3A_170 = arith.index_cast %add3A_158 : i32 to index
      %get3A_171 = tpu.vector_load %arg10[%get3A_169, %get3A_170] {strides = array<i32>} : memref<8x4096xf32, #tpu.memory_space<vmem>>, vector<16xf32>,
      %sub3A_172 = arith.subf %gather3A_163, %get3A_171 : vector<16xf32>
      %mul3A_173 = arith.mulf %sub3A_172, %sub3A_172 : vector<16xf32>
      %add3A_174 = arith.addf %add3A_154, %mul3A_173 : vector<16xf32>
      %mul3A_175 = arith.constant 128 : i32
      %mul3A_176 = arith.muli %scan3A_76, %mul3A_175 : i32
      %add3A_177 = arith.constant 80 : i32
      %add3A_178 = arith.addi %mul3A_176, %add3A_177 : i32
      %add3A_179 = arith.constant 24576 : i32
      %add3A_180 = arith.addi %add3A_179, %add3A_178 : i32
      %get3A_181 = arith.index_cast %add3A_180 : i32 to index
      %get3A_182 = tpu.vector_load %arg7[%get3A_181] {strides = array<i32>} : memref<32768xi32, #tpu.memory_space<vmem>>, vector<16xi32>,
      %gather3A_183 = tpu.vector_load_idx %arg8[%get3A_182] : memref<8192xf32, #tpu.memory_space<vmem>>[vector<16xi32>], vector<16xf32>,
      %swap3A_184 = arith.constant 6 : i32
      %swap3A_185 = arith.index_cast %swap3A_184 : i32 to index
      %swap3A_186 = arith.index_cast %add3A_178 : i32 to index
      %swap3A_187 = tpu.vector_load %arg9[%swap3A_185, %swap3A_186] {strides = array<i32>} : memref<8x4096xf32, #tpu.memory_space<vmem>>, vector<16xf32>,
      tpu.vector_store %arg9[%swap3A_185, %swap3A_186], %gather3A_183 {strides = array<i32>} : memref<8x4096xf32, #tpu.memory_space<vmem>>, vector<16xf32>,
      %get3A_188 = arith.constant 6 : i32
      %get3A_189 = arith.index_cast %get3A_188 : i32 to index
      %get3A_190 = arith.index_cast %add3A_178 : i32 to index
      %get3A_191 = tpu.vector_load %arg10[%get3A_189, %get3A_190] {strides = array<i32>} : memref<8x4096xf32, #tpu.memory_space<vmem>>, vector<16xf32>,
      %sub3A_192 = arith.subf %gather3A_183, %get3A_191 : vector<16xf32>
      %mul3A_193 = arith.mulf %sub3A_192, %sub3A_192 : vector<16xf32>
      %add3A_194 = arith.addf %add3A_174, %mul3A_193 : vector<16xf32>
      %mul3A_195 = arith.constant 128 : i32
      %mul3A_196 = arith.muli %scan3A_76, %mul3A_195 : i32
      %add3A_197 = arith.constant 96 : i32
      %add3A_198 = arith.addi %mul3A_196, %add3A_197 : i32
      %add3A_199 = arith.constant 24576 : i32
      %add3A_200 = arith.addi %add3A_199, %add3A_198 : i32
      %get3A_201 = arith.index_cast %add3A_200 : i32 to index
      %get3A_202 = tpu.vector_load %arg7[%get3A_201] {strides = array<i32>} : memref<32768xi32, #tpu.memory_space<vmem>>, vector<16xi32>,
      %gather3A_203 = tpu.vector_load_idx %arg8[%get3A_202] : memref<8192xf32, #tpu.memory_space<vmem>>[vector<16xi32>], vector<16xf32>,
      %swap3A_204 = arith.constant 6 : i32
      %swap3A_205 = arith.index_cast %swap3A_204 : i32 to index
      %swap3A_206 = arith.index_cast %add3A_198 : i32 to index
      %swap3A_207 = tpu.vector_load %arg9[%swap3A_205, %swap3A_206] {strides = array<i32>} : memref<8x4096xf32, #tpu.memory_space<vmem>>, vector<16xf32>,
      tpu.vector_store %arg9[%swap3A_205, %swap3A_206], %gather3A_203 {strides = array<i32>} : memref<8x4096xf32, #tpu.memory_space<vmem>>, vector<16xf32>,
      %get3A_208 = arith.constant 6 : i32
      %get3A_209 = arith.index_cast %get3A_208 : i32 to index
      %get3A_210 = arith.index_cast %add3A_198 : i32 to index
      %get3A_211 = tpu.vector_load %arg10[%get3A_209, %get3A_210] {strides = array<i32>} : memref<8x4096xf32, #tpu.memory_space<vmem>>, vector<16xf32>,
      %sub3A_212 = arith.subf %gather3A_203, %get3A_211 : vector<16xf32>
      %mul3A_213 = arith.mulf %sub3A_212, %sub3A_212 : vector<16xf32>
      %add3A_214 = arith.addf %add3A_194, %mul3A_213 : vector<16xf32>
      %mul3A_215 = arith.constant 128 : i32
      %mul3A_216 = arith.muli %scan3A_76, %mul3A_215 : i32
      %add3A_217 = arith.constant 112 : i32
      %add3A_218 = arith.addi %mul3A_216, %add3A_217 : i32
      %add3A_219 = arith.constant 24576 : i32
      %add3A_220 = arith.addi %add3A_219, %add3A_218 : i32
      %get3A_221 = arith.index_cast %add3A_220 : i32 to index
      %get3A_222 = tpu.vector_load %arg7[%get3A_221] {strides = array<i32>} : memref<32768xi32, #tpu.memory_space<vmem>>, vector<16xi32>,
      %gather3A_223 = tpu.vector_load_idx %arg8[%get3A_222] : memref<8192xf32, #tpu.memory_space<vmem>>[vector<16xi32>], vector<16xf32>,
      %swap3A_224 = arith.constant 6 : i32
      %swap3A_225 = arith.index_cast %swap3A_224 : i32 to index
      %swap3A_226 = arith.index_cast %add3A_218 : i32 to index
      %swap3A_227 = tpu.vector_load %arg9[%swap3A_225, %swap3A_226] {strides = array<i32>} : memref<8x4096xf32, #tpu.memory_space<vmem>>, vector<16xf32>,
      tpu.vector_store %arg9[%swap3A_225, %swap3A_226], %gather3A_223 {strides = array<i32>} : memref<8x4096xf32, #tpu.memory_space<vmem>>, vector<16xf32>,
      %get3A_228 = arith.constant 6 : i32
      %get3A_229 = arith.index_cast %get3A_228 : i32 to index
      %get3A_230 = arith.index_cast %add3A_218 : i32 to index
      %get3A_231 = tpu.vector_load %arg10[%get3A_229, %get3A_230] {strides = array<i32>} : memref<8x4096xf32, #tpu.memory_space<vmem>>, vector<16xf32>,
      %sub3A_232 = arith.subf %gather3A_223, %get3A_231 : vector<16xf32>
      %mul3A_233 = arith.mulf %sub3A_232, %sub3A_232 : vector<16xf32>
      %add3A_234 = arith.addf %add3A_214, %mul3A_233 : vector<16xf32>
      scf.yield %add3A_234 : vector<16xf32>
    }
    %scan3A_68 = arith.constant 32 : i32
    %scan3A_69 = arith.constant 0 : i32
    %scan3A_70 = arith.constant 32 : i32
    %scan3A_71 = arith.addi %scan3A_69, %scan3A_70 : i32
    %scan3A_72 = arith.constant 1 : i32
    %scan3A_73 = scf.for %scan3A_76 = %scan3A_69 to %scan3A_71 step %scan3A_72 iter_args(%scan3A_77 = %scan3A_67) -> (vector<16xf32>)  : i32 {
      %mul3A_78 = arith.constant 128 : i32
      %mul3A_79 = arith.muli %scan3A_76, %mul3A_78 : i32
      %add3A_80 = arith.constant 0 : i32
      %add3A_81 = arith.addi %mul3A_79, %add3A_80 : i32
      %add3A_82 = arith.constant 28672 : i32
      %add3A_83 = arith.addi %add3A_82, %add3A_81 : i32
      %get3A = arith.index_cast %add3A_83 : i32 to index
      %get3A_84 = tpu.vector_load %arg7[%get3A] {strides = array<i32>} : memref<32768xi32, #tpu.memory_space<vmem>>, vector<16xi32>,
      %gather3A = tpu.vector_load_idx %arg8[%get3A_84] : memref<8192xf32, #tpu.memory_space<vmem>>[vector<16xi32>], vector<16xf32>,
      %swap3A_85 = arith.constant 7 : i32
      %swap3A_86 = arith.index_cast %swap3A_85 : i32 to index
      %swap3A_87 = arith.index_cast %add3A_81 : i32 to index
      %swap3A_88 = tpu.vector_load %arg9[%swap3A_86, %swap3A_87] {strides = array<i32>} : memref<8x4096xf32, #tpu.memory_space<vmem>>, vector<16xf32>,
      tpu.vector_store %arg9[%swap3A_86, %swap3A_87], %gather3A {strides = array<i32>} : memref<8x4096xf32, #tpu.memory_space<vmem>>, vector<16xf32>,
      %get3A_89 = arith.constant 7 : i32
      %get3A_90 = arith.index_cast %get3A_89 : i32 to index
      %get3A_91 = arith.index_cast %add3A_81 : i32 to index
      %get3A_92 = tpu.vector_load %arg10[%get3A_90, %get3A_91] {strides = array<i32>} : memref<8x4096xf32, #tpu.memory_space<vmem>>, vector<16xf32>,
      %sub3A = arith.subf %gather3A, %get3A_92 : vector<16xf32>
      %mul3A_93 = arith.mulf %sub3A, %sub3A : vector<16xf32>
      %add3A_94 = arith.addf %scan3A_77, %mul3A_93 : vector<16xf32>
      %mul3A_95 = arith.constant 128 : i32
      %mul3A_96 = arith.muli %scan3A_76, %mul3A_95 : i32
      %add3A_97 = arith.constant 16 : i32
      %add3A_98 = arith.addi %mul3A_96, %add3A_97 : i32
      %add3A_99 = arith.constant 28672 : i32
      %add3A_100 = arith.addi %add3A_99, %add3A_98 : i32
      %get3A_101 = arith.index_cast %add3A_100 : i32 to index
      %get3A_102 = tpu.vector_load %arg7[%get3A_101] {strides = array<i32>} : memref<32768xi32, #tpu.memory_space<vmem>>, vector<16xi32>,
      %gather3A_103 = tpu.vector_load_idx %arg8[%get3A_102] : memref<8192xf32, #tpu.memory_space<vmem>>[vector<16xi32>], vector<16xf32>,
      %swap3A_104 = arith.constant 7 : i32
      %swap3A_105 = arith.index_cast %swap3A_104 : i32 to index
      %swap3A_106 = arith.index_cast %add3A_98 : i32 to index
      %swap3A_107 = tpu.vector_load %arg9[%swap3A_105, %swap3A_106] {strides = array<i32>} : memref<8x4096xf32, #tpu.memory_space<vmem>>, vector<16xf32>,
      tpu.vector_store %arg9[%swap3A_105, %swap3A_106], %gather3A_103 {strides = array<i32>} : memref<8x4096xf32, #tpu.memory_space<vmem>>, vector<16xf32>,
      %get3A_108 = arith.constant 7 : i32
      %get3A_109 = arith.index_cast %get3A_108 : i32 to index
      %get3A_110 = arith.index_cast %add3A_98 : i32 to index
      %get3A_111 = tpu.vector_load %arg10[%get3A_109, %get3A_110] {strides = array<i32>} : memref<8x4096xf32, #tpu.memory_space<vmem>>, vector<16xf32>,
      %sub3A_112 = arith.subf %gather3A_103, %get3A_111 : vector<16xf32>
      %mul3A_113 = arith.mulf %sub3A_112, %sub3A_112 : vector<16xf32>
      %add3A_114 = arith.addf %add3A_94, %mul3A_113 : vector<16xf32>
      %mul3A_115 = arith.constant 128 : i32
      %mul3A_116 = arith.muli %scan3A_76, %mul3A_115 : i32
      %add3A_117 = arith.constant 32 : i32
      %add3A_118 = arith.addi %mul3A_116, %add3A_117 : i32
      %add3A_119 = arith.constant 28672 : i32
      %add3A_120 = arith.addi %add3A_119, %add3A_118 : i32
      %get3A_121 = arith.index_cast %add3A_120 : i32 to index
      %get3A_122 = tpu.vector_load %arg7[%get3A_121] {strides = array<i32>} : memref<32768xi32, #tpu.memory_space<vmem>>, vector<16xi32>,
      %gather3A_123 = tpu.vector_load_idx %arg8[%get3A_122] : memref<8192xf32, #tpu.memory_space<vmem>>[vector<16xi32>], vector<16xf32>,
      %swap3A_124 = arith.constant 7 : i32
      %swap3A_125 = arith.index_cast %swap3A_124 : i32 to index
      %swap3A_126 = arith.index_cast %add3A_118 : i32 to index
      %swap3A_127 = tpu.vector_load %arg9[%swap3A_125, %swap3A_126] {strides = array<i32>} : memref<8x4096xf32, #tpu.memory_space<vmem>>, vector<16xf32>,
      tpu.vector_store %arg9[%swap3A_125, %swap3A_126], %gather3A_123 {strides = array<i32>} : memref<8x4096xf32, #tpu.memory_space<vmem>>, vector<16xf32>,
      %get3A_128 = arith.constant 7 : i32
      %get3A_129 = arith.index_cast %get3A_128 : i32 to index
      %get3A_130 = arith.index_cast %add3A_118 : i32 to index
      %get3A_131 = tpu.vector_load %arg10[%get3A_129, %get3A_130] {strides = array<i32>} : memref<8x4096xf32, #tpu.memory_space<vmem>>, vector<16xf32>,
      %sub3A_132 = arith.subf %gather3A_123, %get3A_131 : vector<16xf32>
      %mul3A_133 = arith.mulf %sub3A_132, %sub3A_132 : vector<16xf32>
      %add3A_134 = arith.addf %add3A_114, %mul3A_133 : vector<16xf32>
      %mul3A_135 = arith.constant 128 : i32
      %mul3A_136 = arith.muli %scan3A_76, %mul3A_135 : i32
      %add3A_137 = arith.constant 48 : i32
      %add3A_138 = arith.addi %mul3A_136, %add3A_137 : i32
      %add3A_139 = arith.constant 28672 : i32
      %add3A_140 = arith.addi %add3A_139, %add3A_138 : i32
      %get3A_141 = arith.index_cast %add3A_140 : i32 to index
      %get3A_142 = tpu.vector_load %arg7[%get3A_141] {strides = array<i32>} : memref<32768xi32, #tpu.memory_space<vmem>>, vector<16xi32>,
      %gather3A_143 = tpu.vector_load_idx %arg8[%get3A_142] : memref<8192xf32, #tpu.memory_space<vmem>>[vector<16xi32>], vector<16xf32>,
      %swap3A_144 = arith.constant 7 : i32
      %swap3A_145 = arith.index_cast %swap3A_144 : i32 to index
      %swap3A_146 = arith.index_cast %add3A_138 : i32 to index
      %swap3A_147 = tpu.vector_load %arg9[%swap3A_145, %swap3A_146] {strides = array<i32>} : memref<8x4096xf32, #tpu.memory_space<vmem>>, vector<16xf32>,
      tpu.vector_store %arg9[%swap3A_145, %swap3A_146], %gather3A_143 {strides = array<i32>} : memref<8x4096xf32, #tpu.memory_space<vmem>>, vector<16xf32>,
      %get3A_148 = arith.constant 7 : i32
      %get3A_149 = arith.index_cast %get3A_148 : i32 to index
      %get3A_150 = arith.index_cast %add3A_138 : i32 to index
      %get3A_151 = tpu.vector_load %arg10[%get3A_149, %get3A_150] {strides = array<i32>} : memref<8x4096xf32, #tpu.memory_space<vmem>>, vector<16xf32>,
      %sub3A_152 = arith.subf %gather3A_143, %get3A_151 : vector<16xf32>
      %mul3A_153 = arith.mulf %sub3A_152, %sub3A_152 : vector<16xf32>
      %add3A_154 = arith.addf %add3A_134, %mul3A_153 : vector<16xf32>
      %mul3A_155 = arith.constant 128 : i32
      %mul3A_156 = arith.muli %scan3A_76, %mul3A_155 : i32
      %add3A_157 = arith.constant 64 : i32
      %add3A_158 = arith.addi %mul3A_156, %add3A_157 : i32
      %add3A_159 = arith.constant 28672 : i32
      %add3A_160 = arith.addi %add3A_159, %add3A_158 : i32
      %get3A_161 = arith.index_cast %add3A_160 : i32 to index
      %get3A_162 = tpu.vector_load %arg7[%get3A_161] {strides = array<i32>} : memref<32768xi32, #tpu.memory_space<vmem>>, vector<16xi32>,
      %gather3A_163 = tpu.vector_load_idx %arg8[%get3A_162] : memref<8192xf32, #tpu.memory_space<vmem>>[vector<16xi32>], vector<16xf32>,
      %swap3A_164 = arith.constant 7 : i32
      %swap3A_165 = arith.index_cast %swap3A_164 : i32 to index
      %swap3A_166 = arith.index_cast %add3A_158 : i32 to index
      %swap3A_167 = tpu.vector_load %arg9[%swap3A_165, %swap3A_166] {strides = array<i32>} : memref<8x4096xf32, #tpu.memory_space<vmem>>, vector<16xf32>,
      tpu.vector_store %arg9[%swap3A_165, %swap3A_166], %gather3A_163 {strides = array<i32>} : memref<8x4096xf32, #tpu.memory_space<vmem>>, vector<16xf32>,
      %get3A_168 = arith.constant 7 : i32
      %get3A_169 = arith.index_cast %get3A_168 : i32 to index
      %get3A_170 = arith.index_cast %add3A_158 : i32 to index
      %get3A_171 = tpu.vector_load %arg10[%get3A_169, %get3A_170] {strides = array<i32>} : memref<8x4096xf32, #tpu.memory_space<vmem>>, vector<16xf32>,
      %sub3A_172 = arith.subf %gather3A_163, %get3A_171 : vector<16xf32>
      %mul3A_173 = arith.mulf %sub3A_172, %sub3A_172 : vector<16xf32>
      %add3A_174 = arith.addf %add3A_154, %mul3A_173 : vector<16xf32>
      %mul3A_175 = arith.constant 128 : i32
      %mul3A_176 = arith.muli %scan3A_76, %mul3A_175 : i32
      %add3A_177 = arith.constant 80 : i32
      %add3A_178 = arith.addi %mul3A_176, %add3A_177 : i32
      %add3A_179 = arith.constant 28672 : i32
      %add3A_180 = arith.addi %add3A_179, %add3A_178 : i32
      %get3A_181 = arith.index_cast %add3A_180 : i32 to index
      %get3A_182 = tpu.vector_load %arg7[%get3A_181] {strides = array<i32>} : memref<32768xi32, #tpu.memory_space<vmem>>, vector<16xi32>,
      %gather3A_183 = tpu.vector_load_idx %arg8[%get3A_182] : memref<8192xf32, #tpu.memory_space<vmem>>[vector<16xi32>], vector<16xf32>,
      %swap3A_184 = arith.constant 7 : i32
      %swap3A_185 = arith.index_cast %swap3A_184 : i32 to index
      %swap3A_186 = arith.index_cast %add3A_178 : i32 to index
      %swap3A_187 = tpu.vector_load %arg9[%swap3A_185, %swap3A_186] {strides = array<i32>} : memref<8x4096xf32, #tpu.memory_space<vmem>>, vector<16xf32>,
      tpu.vector_store %arg9[%swap3A_185, %swap3A_186], %gather3A_183 {strides = array<i32>} : memref<8x4096xf32, #tpu.memory_space<vmem>>, vector<16xf32>,
      %get3A_188 = arith.constant 7 : i32
      %get3A_189 = arith.index_cast %get3A_188 : i32 to index
      %get3A_190 = arith.index_cast %add3A_178 : i32 to index
      %get3A_191 = tpu.vector_load %arg10[%get3A_189, %get3A_190] {strides = array<i32>} : memref<8x4096xf32, #tpu.memory_space<vmem>>, vector<16xf32>,
      %sub3A_192 = arith.subf %gather3A_183, %get3A_191 : vector<16xf32>
      %mul3A_193 = arith.mulf %sub3A_192, %sub3A_192 : vector<16xf32>
      %add3A_194 = arith.addf %add3A_174, %mul3A_193 : vector<16xf32>
      %mul3A_195 = arith.constant 128 : i32
      %mul3A_196 = arith.muli %scan3A_76, %mul3A_195 : i32
      %add3A_197 = arith.constant 96 : i32
      %add3A_198 = arith.addi %mul3A_196, %add3A_197 : i32
      %add3A_199 = arith.constant 28672 : i32
      %add3A_200 = arith.addi %add3A_199, %add3A_198 : i32
      %get3A_201 = arith.index_cast %add3A_200 : i32 to index
      %get3A_202 = tpu.vector_load %arg7[%get3A_201] {strides = array<i32>} : memref<32768xi32, #tpu.memory_space<vmem>>, vector<16xi32>,
      %gather3A_203 = tpu.vector_load_idx %arg8[%get3A_202] : memref<8192xf32, #tpu.memory_space<vmem>>[vector<16xi32>], vector<16xf32>,
      %swap3A_204 = arith.constant 7 : i32
      %swap3A_205 = arith.index_cast %swap3A_204 : i32 to index
      %swap3A_206 = arith.index_cast %add3A_198 : i32 to index
      %swap3A_207 = tpu.vector_load %arg9[%swap3A_205, %swap3A_206] {strides = array<i32>} : memref<8x4096xf32, #tpu.memory_space<vmem>>, vector<16xf32>,
      tpu.vector_store %arg9[%swap3A_205, %swap3A_206], %gather3A_203 {strides = array<i32>} : memref<8x4096xf32, #tpu.memory_space<vmem>>, vector<16xf32>,
      %get3A_208 = arith.constant 7 : i32
      %get3A_209 = arith.index_cast %get3A_208 : i32 to index
      %get3A_210 = arith.index_cast %add3A_198 : i32 to index
      %get3A_211 = tpu.vector_load %arg10[%get3A_209, %get3A_210] {strides = array<i32>} : memref<8x4096xf32, #tpu.memory_space<vmem>>, vector<16xf32>,
      %sub3A_212 = arith.subf %gather3A_203, %get3A_211 : vector<16xf32>
      %mul3A_213 = arith.mulf %sub3A_212, %sub3A_212 : vector<16xf32>
      %add3A_214 = arith.addf %add3A_194, %mul3A_213 : vector<16xf32>
      %mul3A_215 = arith.constant 128 : i32
      %mul3A_216 = arith.muli %scan3A_76, %mul3A_215 : i32
      %add3A_217 = arith.constant 112 : i32
      %add3A_218 = arith.addi %mul3A_216, %add3A_217 : i32
      %add3A_219 = arith.constant 28672 : i32
      %add3A_220 = arith.addi %add3A_219, %add3A_218 : i32
      %get3A_221 = arith.index_cast %add3A_220 : i32 to index
      %get3A_222 = tpu.vector_load %arg7[%get3A_221] {strides = array<i32>} : memref<32768xi32, #tpu.memory_space<vmem>>, vector<16xi32>,
      %gather3A_223 = tpu.vector_load_idx %arg8[%get3A_222] : memref<8192xf32, #tpu.memory_space<vmem>>[vector<16xi32>], vector<16xf32>,
      %swap3A_224 = arith.constant 7 : i32
      %swap3A_225 = arith.index_cast %swap3A_224 : i32 to index
      %swap3A_226 = arith.index_cast %add3A_218 : i32 to index
      %swap3A_227 = tpu.vector_load %arg9[%swap3A_225, %swap3A_226] {strides = array<i32>} : memref<8x4096xf32, #tpu.memory_space<vmem>>, vector<16xf32>,
      tpu.vector_store %arg9[%swap3A_225, %swap3A_226], %gather3A_223 {strides = array<i32>} : memref<8x4096xf32, #tpu.memory_space<vmem>>, vector<16xf32>,
      %get3A_228 = arith.constant 7 : i32
      %get3A_229 = arith.index_cast %get3A_228 : i32 to index
      %get3A_230 = arith.index_cast %add3A_218 : i32 to index
      %get3A_231 = tpu.vector_load %arg10[%get3A_229, %get3A_230] {strides = array<i32>} : memref<8x4096xf32, #tpu.memory_space<vmem>>, vector<16xf32>,
      %sub3A_232 = arith.subf %gather3A_223, %get3A_231 : vector<16xf32>
      %mul3A_233 = arith.mulf %sub3A_232, %sub3A_232 : vector<16xf32>
      %add3A_234 = arith.addf %add3A_214, %mul3A_233 : vector<16xf32>
      scf.yield %add3A_234 : vector<16xf32>
    }
    %scan3A_74 = arith.constant 32 : i32
    %swap3A = arith.constant 0 : index
    %swap3A_75 = tpu.vector_load %arg11[%swap3A] {strides = array<i32>} : memref<16xf32, #tpu.memory_space<vmem>>, vector<16xf32>,
    tpu.vector_store %arg11[%swap3A], %scan3A_73 {strides = array<i32>} : memref<16xf32, #tpu.memory_space<vmem>>, vector<16xf32>,
    "tpu.region"() ({
      %run_scoped3A = tpu.sem_alloc : memref<!tpu.dma_semaphore, #tpu.memory_space<semaphore_mem>>
      %dma_start3A_76 = arith.constant 0 : i32
      %dma_start3A_77 = arith.constant 0 : i32
      %dma_start3A_78 = tpu.memref_slice %arg5[%dma_start3A_76, %add3A, %dma_start3A_77] : memref<8x32x4096xf32, #tpu.memory_space<hbm>> -> memref<8x1x4096xf32, #tpu.memory_space<hbm>>
      %dma_start3A_79 = tpu.memref_squeeze %dma_start3A_78 : memref<8x1x4096xf32, #tpu.memory_space<hbm>> -> memref<8x4096xf32, #tpu.memory_space<hbm>>
      %dma_start3A_80 = arith.constant 0 : i32
      %dma_start3A_81 = arith.constant 0 : i32
      %dma_start3A_82 = tpu.memref_slice %arg5[%dma_start3A_80, %add3A, %dma_start3A_81] : memref<8x32x4096xf32, #tpu.memory_space<hbm>> -> memref<8x1x4096xf32, #tpu.memory_space<hbm>>
      %dma_start3A_83 = tpu.memref_squeeze %dma_start3A_82 : memref<8x1x4096xf32, #tpu.memory_space<hbm>> -> memref<8x4096xf32, #tpu.memory_space<hbm>>
      tpu.enqueue_dma source(%arg9 : memref<8x4096xf32, #tpu.memory_space<vmem>>) target(%dma_start3A_83 : memref<8x4096xf32, #tpu.memory_space<hbm>>) target_semaphore(%run_scoped3A : memref<!tpu.dma_semaphore, #tpu.memory_space<semaphore_mem>>)
      %dma_wait3A_84 = arith.constant 0 : i32
      %dma_wait3A_85 = arith.constant 0 : i32
      %dma_wait3A_86 = tpu.memref_slice %arg5[%dma_wait3A_84, %add3A, %dma_wait3A_85] : memref<8x32x4096xf32, #tpu.memory_space<hbm>> -> memref<8x1x4096xf32, #tpu.memory_space<hbm>>
      %dma_wait3A_87 = tpu.memref_squeeze %dma_wait3A_86 : memref<8x1x4096xf32, #tpu.memory_space<hbm>> -> memref<8x4096xf32, #tpu.memory_space<hbm>>
      %dma_wait3A_88 = arith.constant 0 : i32
      %dma_wait3A_89 = arith.constant 0 : i32
      %dma_wait3A_90 = tpu.memref_slice %arg5[%dma_wait3A_88, %add3A, %dma_wait3A_89] : memref<8x32x4096xf32, #tpu.memory_space<hbm>> -> memref<8x1x4096xf32, #tpu.memory_space<hbm>>
      %dma_wait3A_91 = tpu.memref_squeeze %dma_wait3A_90 : memref<8x1x4096xf32, #tpu.memory_space<hbm>> -> memref<8x4096xf32, #tpu.memory_space<hbm>>
      tpu.wait_dma2 semaphore(%run_scoped3A : memref<!tpu.dma_semaphore, #tpu.memory_space<semaphore_mem>>) src(%arg9 : memref<8x4096xf32, #tpu.memory_space<vmem>>) dst(%dma_wait3A_91 : memref<8x4096xf32, #tpu.memory_space<hbm>>)
      tpu.yield
    }) : () -> ()
    "tpu.region"() ({
      %run_scoped3A = tpu.sem_alloc : memref<!tpu.dma_semaphore, #tpu.memory_space<semaphore_mem>>
      %dma_start3A_76 = arith.constant 0 : i32
      %dma_start3A_77 = tpu.memref_slice %arg6[%add3A, %dma_start3A_76] : memref<32x16xf32, #tpu.memory_space<hbm>> -> memref<1x16xf32, #tpu.memory_space<hbm>>
      %dma_start3A_78 = tpu.memref_squeeze %dma_start3A_77 : memref<1x16xf32, #tpu.memory_space<hbm>> -> memref<16xf32, #tpu.memory_space<hbm>>
      %dma_start3A_79 = arith.constant 0 : i32
      %dma_start3A_80 = tpu.memref_slice %arg6[%add3A, %dma_start3A_79] : memref<32x16xf32, #tpu.memory_space<hbm>> -> memref<1x16xf32, #tpu.memory_space<hbm>>
      %dma_start3A_81 = tpu.memref_squeeze %dma_start3A_80 : memref<1x16xf32, #tpu.memory_space<hbm>> -> memref<16xf32, #tpu.memory_space<hbm>>
      tpu.enqueue_dma source(%arg11 : memref<16xf32, #tpu.memory_space<vmem>>) target(%dma_start3A_81 : memref<16xf32, #tpu.memory_space<hbm>>) target_semaphore(%run_scoped3A : memref<!tpu.dma_semaphore, #tpu.memory_space<semaphore_mem>>)
      %dma_wait3A_82 = arith.constant 0 : i32
      %dma_wait3A_83 = tpu.memref_slice %arg6[%add3A, %dma_wait3A_82] : memref<32x16xf32, #tpu.memory_space<hbm>> -> memref<1x16xf32, #tpu.memory_space<hbm>>
      %dma_wait3A_84 = tpu.memref_squeeze %dma_wait3A_83 : memref<1x16xf32, #tpu.memory_space<hbm>> -> memref<16xf32, #tpu.memory_space<hbm>>
      %dma_wait3A_85 = arith.constant 0 : i32
      %dma_wait3A_86 = tpu.memref_slice %arg6[%add3A, %dma_wait3A_85] : memref<32x16xf32, #tpu.memory_space<hbm>> -> memref<1x16xf32, #tpu.memory_space<hbm>>
      %dma_wait3A_87 = tpu.memref_squeeze %dma_wait3A_86 : memref<1x16xf32, #tpu.memory_space<hbm>> -> memref<16xf32, #tpu.memory_space<hbm>>
      tpu.wait_dma2 semaphore(%run_scoped3A : memref<!tpu.dma_semaphore, #tpu.memory_space<semaphore_mem>>) src(%arg11 : memref<16xf32, #tpu.memory_space<vmem>>) dst(%dma_wait3A_87 : memref<16xf32, #tpu.memory_space<hbm>>)
      tpu.yield
    }) : () -> ()
    return
  }
}

module attributes {stable_mosaic.version = 14 : i64} {
  func.func @_prep_body(%arg0: memref<8192x32xf32, #tpu.memory_space<vmem>>, %arg1: memref<8192x32xf32, #tpu.memory_space<vmem>>, %arg2: memref<8192x1xf32, #tpu.memory_space<vmem>>) attributes {dimension_semantics = [], scalar_prefetch = 0 : i64, scratch_operands = 0 : i64, tpu.core_type = #tpu.core_type<tc>} {
    %get3A = arith.constant 0 : index
    %get3A_0 = arith.constant 0 : index
    %get3A_1 = vector.load %arg0[%get3A, %get3A_0] : memref<8192x32xf32, #tpu.memory_space<vmem>>, vector<8192x32xf32>
    %mul3A = arith.constant -2.000000e+00 : f32
    %mul3A_2 = vector.broadcast %mul3A : f32 to vector<8192x32xf32>
    %mul3A_3 = arith.mulf %mul3A_2, %get3A_1 : vector<8192x32xf32>
    %swap3A = arith.constant 0 : index
    %swap3A_4 = arith.constant 0 : index
    %swap3A_5 = vector.load %arg1[%swap3A, %swap3A_4] : memref<8192x32xf32, #tpu.memory_space<vmem>>, vector<8192x32xf32>
    tpu.vector_store %arg1[%swap3A, %swap3A_4], %mul3A_3 {strides = array<i32>} : memref<8192x32xf32, #tpu.memory_space<vmem>>, vector<8192x32xf32>,
    %mul3A_6 = arith.mulf %get3A_1, %get3A_1 : vector<8192x32xf32>
    %reduce_sum3A = arith.constant dense<0.000000e+00> : vector<8192xf32>
    %reduce_sum3A_7 = vector.multi_reduction <add>, %mul3A_6, %reduce_sum3A [1] : vector<8192x32xf32> to vector<8192xf32>
    %broadcast_in_dim3A = vector.shape_cast %reduce_sum3A_7 : vector<8192xf32> to vector<8192x1xf32>
    %swap3A_8 = arith.constant 0 : index
    %swap3A_9 = arith.constant 0 : index
    %swap3A_10 = vector.load %arg2[%swap3A_8, %swap3A_9] : memref<8192x1xf32, #tpu.memory_space<vmem>>, vector<8192x1xf32>
    tpu.vector_store %arg2[%swap3A_8, %swap3A_9], %broadcast_in_dim3A {strides = array<i32>} : memref<8192x1xf32, #tpu.memory_space<vmem>>, vector<8192x1xf32>,
    return
  }
}

module attributes {stable_mosaic.version = 14 : i64} {
  func.func @_argmin_body(%arg0: i32, %arg1: i32, %arg2: memref<1x32x1024xf32, #tpu.memory_space<vmem>>, %arg3: memref<8192x32xf32, #tpu.memory_space<vmem>>, %arg4: memref<8192x1xf32, #tpu.memory_space<vmem>>, %arg5: memref<1x1x1024xi32, #tpu.memory_space<vmem>>, %arg6: memref<8192x512xf32, #tpu.memory_space<vmem>>, %arg7: memref<8192x512xf32, #tpu.memory_space<vmem>>) attributes {dimension_semantics = [#tpu.dimension_semantics<arbitrary>, #tpu.dimension_semantics<arbitrary>], iteration_bounds = array<i64: 8, 4>, scalar_prefetch = 0 : i64, scratch_operands = 2 : i64, tpu.core_type = #tpu.core_type<tc>, window_params = [{transform_indices = @transform_0, window_bounds = array<i64: 1, 32, 1024>}, {pipeline_mode = #tpu.pipeline_mode<synchronous>, transform_indices = @transform_1, window_bounds = array<i64: 8192, 32>}, {pipeline_mode = #tpu.pipeline_mode<synchronous>, transform_indices = @transform_2, window_bounds = array<i64: 8192, 1>}, {transform_indices = @transform_3, window_bounds = array<i64: 1, 1, 1024>}]} {
    %get3A = arith.constant 0 : index
    %get3A_0 = arith.constant 0 : index
    %get3A_1 = arith.constant 0 : index
    %get3A_2 = vector.load %arg2[%get3A, %get3A_0, %get3A_1] : memref<1x32x1024xf32, #tpu.memory_space<vmem>>, vector<1x32x1024xf32>
    %get3A_3 = vector.shape_cast %get3A_2 : vector<1x32x1024xf32> to vector<32x1024xf32>
    %slice3A = vector.extract_strided_slice %get3A_3 {offsets = [0, 0], sizes = [32, 512], strides = [1, 1]} : vector<32x1024xf32> to vector<32x512xf32>
    %get3A_4 = arith.constant 0 : index
    %get3A_5 = arith.constant 0 : index
    %get3A_6 = vector.load %arg3[%get3A_4, %get3A_5] : memref<8192x32xf32, #tpu.memory_space<vmem>>, vector<1024x32xf32>
    %dot_general3A = arith.constant dense<0.000000e+00> : vector<1024x512xf32>
    %dot_general3A_7 = tpu.matmul %get3A_6, %slice3A, %dot_general3A {dimension_numbers = #tpu.dot_dimension_numbers<[1], [0], [0], [1], [0, 0, 1, 1], [], []>, transpose_lhs_hint = false} : vector<1024x32xf32>, vector<32x512xf32>, vector<1024x512xf32> -> vector<1024x512xf32>
    %get3A_8 = arith.constant 0 : index
    %get3A_9 = arith.constant 0 : index
    %get3A_10 = vector.load %arg4[%get3A_8, %get3A_9] : memref<8192x1xf32, #tpu.memory_space<vmem>>, vector<1024x1xf32>
    %add3A = vector.broadcast %get3A_10 : vector<1024x1xf32> to vector<1024x512xf32>
    %add3A_11 = arith.addf %add3A, %dot_general3A_7 : vector<1024x512xf32>
    %swap3A = arith.constant 0 : index
    %swap3A_12 = arith.constant 0 : index
    %swap3A_13 = vector.load %arg6[%swap3A, %swap3A_12] : memref<8192x512xf32, #tpu.memory_space<vmem>>, vector<1024x512xf32>
    tpu.vector_store %arg6[%swap3A, %swap3A_12], %add3A_11 {strides = array<i32>} : memref<8192x512xf32, #tpu.memory_space<vmem>>, vector<1024x512xf32>,
    %get3A_14 = arith.constant 1024 : index
    %get3A_15 = arith.constant 0 : index
    %get3A_16 = vector.load %arg3[%get3A_14, %get3A_15] : memref<8192x32xf32, #tpu.memory_space<vmem>>, vector<1024x32xf32>
    %dot_general3A_17 = arith.constant dense<0.000000e+00> : vector<1024x512xf32>
    %dot_general3A_18 = tpu.matmul %get3A_16, %slice3A, %dot_general3A_17 {dimension_numbers = #tpu.dot_dimension_numbers<[1], [0], [0], [1], [0, 0, 1, 1], [], []>, transpose_lhs_hint = false} : vector<1024x32xf32>, vector<32x512xf32>, vector<1024x512xf32> -> vector<1024x512xf32>
    %get3A_19 = arith.constant 1024 : index
    %get3A_20 = arith.constant 0 : index
    %get3A_21 = vector.load %arg4[%get3A_19, %get3A_20] : memref<8192x1xf32, #tpu.memory_space<vmem>>, vector<1024x1xf32>
    %add3A_22 = vector.broadcast %get3A_21 : vector<1024x1xf32> to vector<1024x512xf32>
    %add3A_23 = arith.addf %add3A_22, %dot_general3A_18 : vector<1024x512xf32>
    %swap3A_24 = arith.constant 1024 : index
    %swap3A_25 = arith.constant 0 : index
    %swap3A_26 = vector.load %arg6[%swap3A_24, %swap3A_25] : memref<8192x512xf32, #tpu.memory_space<vmem>>, vector<1024x512xf32>
    tpu.vector_store %arg6[%swap3A_24, %swap3A_25], %add3A_23 {strides = array<i32>} : memref<8192x512xf32, #tpu.memory_space<vmem>>, vector<1024x512xf32>,
    %get3A_27 = arith.constant 2048 : index
    %get3A_28 = arith.constant 0 : index
    %get3A_29 = vector.load %arg3[%get3A_27, %get3A_28] : memref<8192x32xf32, #tpu.memory_space<vmem>>, vector<1024x32xf32>
    %dot_general3A_30 = arith.constant dense<0.000000e+00> : vector<1024x512xf32>
    %dot_general3A_31 = tpu.matmul %get3A_29, %slice3A, %dot_general3A_30 {dimension_numbers = #tpu.dot_dimension_numbers<[1], [0], [0], [1], [0, 0, 1, 1], [], []>, transpose_lhs_hint = false} : vector<1024x32xf32>, vector<32x512xf32>, vector<1024x512xf32> -> vector<1024x512xf32>
    %get3A_32 = arith.constant 2048 : index
    %get3A_33 = arith.constant 0 : index
    %get3A_34 = vector.load %arg4[%get3A_32, %get3A_33] : memref<8192x1xf32, #tpu.memory_space<vmem>>, vector<1024x1xf32>
    %add3A_35 = vector.broadcast %get3A_34 : vector<1024x1xf32> to vector<1024x512xf32>
    %add3A_36 = arith.addf %add3A_35, %dot_general3A_31 : vector<1024x512xf32>
    %swap3A_37 = arith.constant 2048 : index
    %swap3A_38 = arith.constant 0 : index
    %swap3A_39 = vector.load %arg6[%swap3A_37, %swap3A_38] : memref<8192x512xf32, #tpu.memory_space<vmem>>, vector<1024x512xf32>
    tpu.vector_store %arg6[%swap3A_37, %swap3A_38], %add3A_36 {strides = array<i32>} : memref<8192x512xf32, #tpu.memory_space<vmem>>, vector<1024x512xf32>,
    %get3A_40 = arith.constant 3072 : index
    %get3A_41 = arith.constant 0 : index
    %get3A_42 = vector.load %arg3[%get3A_40, %get3A_41] : memref<8192x32xf32, #tpu.memory_space<vmem>>, vector<1024x32xf32>
    %dot_general3A_43 = arith.constant dense<0.000000e+00> : vector<1024x512xf32>
    %dot_general3A_44 = tpu.matmul %get3A_42, %slice3A, %dot_general3A_43 {dimension_numbers = #tpu.dot_dimension_numbers<[1], [0], [0], [1], [0, 0, 1, 1], [], []>, transpose_lhs_hint = false} : vector<1024x32xf32>, vector<32x512xf32>, vector<1024x512xf32> -> vector<1024x512xf32>
    %get3A_45 = arith.constant 3072 : index
    %get3A_46 = arith.constant 0 : index
    %get3A_47 = vector.load %arg4[%get3A_45, %get3A_46] : memref<8192x1xf32, #tpu.memory_space<vmem>>, vector<1024x1xf32>
    %add3A_48 = vector.broadcast %get3A_47 : vector<1024x1xf32> to vector<1024x512xf32>
    %add3A_49 = arith.addf %add3A_48, %dot_general3A_44 : vector<1024x512xf32>
    %swap3A_50 = arith.constant 3072 : index
    %swap3A_51 = arith.constant 0 : index
    %swap3A_52 = vector.load %arg6[%swap3A_50, %swap3A_51] : memref<8192x512xf32, #tpu.memory_space<vmem>>, vector<1024x512xf32>
    tpu.vector_store %arg6[%swap3A_50, %swap3A_51], %add3A_49 {strides = array<i32>} : memref<8192x512xf32, #tpu.memory_space<vmem>>, vector<1024x512xf32>,
    %get3A_53 = arith.constant 4096 : index
    %get3A_54 = arith.constant 0 : index
    %get3A_55 = vector.load %arg3[%get3A_53, %get3A_54] : memref<8192x32xf32, #tpu.memory_space<vmem>>, vector<1024x32xf32>
    %dot_general3A_56 = arith.constant dense<0.000000e+00> : vector<1024x512xf32>
    %dot_general3A_57 = tpu.matmul %get3A_55, %slice3A, %dot_general3A_56 {dimension_numbers = #tpu.dot_dimension_numbers<[1], [0], [0], [1], [0, 0, 1, 1], [], []>, transpose_lhs_hint = false} : vector<1024x32xf32>, vector<32x512xf32>, vector<1024x512xf32> -> vector<1024x512xf32>
    %get3A_58 = arith.constant 4096 : index
    %get3A_59 = arith.constant 0 : index
    %get3A_60 = vector.load %arg4[%get3A_58, %get3A_59] : memref<8192x1xf32, #tpu.memory_space<vmem>>, vector<1024x1xf32>
    %add3A_61 = vector.broadcast %get3A_60 : vector<1024x1xf32> to vector<1024x512xf32>
    %add3A_62 = arith.addf %add3A_61, %dot_general3A_57 : vector<1024x512xf32>
    %swap3A_63 = arith.constant 4096 : index
    %swap3A_64 = arith.constant 0 : index
    %swap3A_65 = vector.load %arg6[%swap3A_63, %swap3A_64] : memref<8192x512xf32, #tpu.memory_space<vmem>>, vector<1024x512xf32>
    tpu.vector_store %arg6[%swap3A_63, %swap3A_64], %add3A_62 {strides = array<i32>} : memref<8192x512xf32, #tpu.memory_space<vmem>>, vector<1024x512xf32>,
    %get3A_66 = arith.constant 5120 : index
    %get3A_67 = arith.constant 0 : index
    %get3A_68 = vector.load %arg3[%get3A_66, %get3A_67] : memref<8192x32xf32, #tpu.memory_space<vmem>>, vector<1024x32xf32>
    %dot_general3A_69 = arith.constant dense<0.000000e+00> : vector<1024x512xf32>
    %dot_general3A_70 = tpu.matmul %get3A_68, %slice3A, %dot_general3A_69 {dimension_numbers = #tpu.dot_dimension_numbers<[1], [0], [0], [1], [0, 0, 1, 1], [], []>, transpose_lhs_hint = false} : vector<1024x32xf32>, vector<32x512xf32>, vector<1024x512xf32> -> vector<1024x512xf32>
    %get3A_71 = arith.constant 5120 : index
    %get3A_72 = arith.constant 0 : index
    %get3A_73 = vector.load %arg4[%get3A_71, %get3A_72] : memref<8192x1xf32, #tpu.memory_space<vmem>>, vector<1024x1xf32>
    %add3A_74 = vector.broadcast %get3A_73 : vector<1024x1xf32> to vector<1024x512xf32>
    %add3A_75 = arith.addf %add3A_74, %dot_general3A_70 : vector<1024x512xf32>
    %swap3A_76 = arith.constant 5120 : index
    %swap3A_77 = arith.constant 0 : index
    %swap3A_78 = vector.load %arg6[%swap3A_76, %swap3A_77] : memref<8192x512xf32, #tpu.memory_space<vmem>>, vector<1024x512xf32>
    tpu.vector_store %arg6[%swap3A_76, %swap3A_77], %add3A_75 {strides = array<i32>} : memref<8192x512xf32, #tpu.memory_space<vmem>>, vector<1024x512xf32>,
    %get3A_79 = arith.constant 6144 : index
    %get3A_80 = arith.constant 0 : index
    %get3A_81 = vector.load %arg3[%get3A_79, %get3A_80] : memref<8192x32xf32, #tpu.memory_space<vmem>>, vector<1024x32xf32>
    %dot_general3A_82 = arith.constant dense<0.000000e+00> : vector<1024x512xf32>
    %dot_general3A_83 = tpu.matmul %get3A_81, %slice3A, %dot_general3A_82 {dimension_numbers = #tpu.dot_dimension_numbers<[1], [0], [0], [1], [0, 0, 1, 1], [], []>, transpose_lhs_hint = false} : vector<1024x32xf32>, vector<32x512xf32>, vector<1024x512xf32> -> vector<1024x512xf32>
    %get3A_84 = arith.constant 6144 : index
    %get3A_85 = arith.constant 0 : index
    %get3A_86 = vector.load %arg4[%get3A_84, %get3A_85] : memref<8192x1xf32, #tpu.memory_space<vmem>>, vector<1024x1xf32>
    %add3A_87 = vector.broadcast %get3A_86 : vector<1024x1xf32> to vector<1024x512xf32>
    %add3A_88 = arith.addf %add3A_87, %dot_general3A_83 : vector<1024x512xf32>
    %swap3A_89 = arith.constant 6144 : index
    %swap3A_90 = arith.constant 0 : index
    %swap3A_91 = vector.load %arg6[%swap3A_89, %swap3A_90] : memref<8192x512xf32, #tpu.memory_space<vmem>>, vector<1024x512xf32>
    tpu.vector_store %arg6[%swap3A_89, %swap3A_90], %add3A_88 {strides = array<i32>} : memref<8192x512xf32, #tpu.memory_space<vmem>>, vector<1024x512xf32>,
    %get3A_92 = arith.constant 7168 : index
    %get3A_93 = arith.constant 0 : index
    %get3A_94 = vector.load %arg3[%get3A_92, %get3A_93] : memref<8192x32xf32, #tpu.memory_space<vmem>>, vector<1024x32xf32>
    %dot_general3A_95 = arith.constant dense<0.000000e+00> : vector<1024x512xf32>
    %dot_general3A_96 = tpu.matmul %get3A_94, %slice3A, %dot_general3A_95 {dimension_numbers = #tpu.dot_dimension_numbers<[1], [0], [0], [1], [0, 0, 1, 1], [], []>, transpose_lhs_hint = false} : vector<1024x32xf32>, vector<32x512xf32>, vector<1024x512xf32> -> vector<1024x512xf32>
    %get3A_97 = arith.constant 7168 : index
    %get3A_98 = arith.constant 0 : index
    %get3A_99 = vector.load %arg4[%get3A_97, %get3A_98] : memref<8192x1xf32, #tpu.memory_space<vmem>>, vector<1024x1xf32>
    %add3A_100 = vector.broadcast %get3A_99 : vector<1024x1xf32> to vector<1024x512xf32>
    %add3A_101 = arith.addf %add3A_100, %dot_general3A_96 : vector<1024x512xf32>
    %swap3A_102 = arith.constant 7168 : index
    %swap3A_103 = arith.constant 0 : index
    %swap3A_104 = vector.load %arg6[%swap3A_102, %swap3A_103] : memref<8192x512xf32, #tpu.memory_space<vmem>>, vector<1024x512xf32>
    tpu.vector_store %arg6[%swap3A_102, %swap3A_103], %add3A_101 {strides = array<i32>} : memref<8192x512xf32, #tpu.memory_space<vmem>>, vector<1024x512xf32>,
    %slice3A_105 = vector.extract_strided_slice %get3A_3 {offsets = [0, 512], sizes = [32, 512], strides = [1, 1]} : vector<32x1024xf32> to vector<32x512xf32>
    %get3A_106 = arith.constant 0 : index
    %get3A_107 = arith.constant 0 : index
    %get3A_108 = vector.load %arg3[%get3A_106, %get3A_107] : memref<8192x32xf32, #tpu.memory_space<vmem>>, vector<1024x32xf32>
    %dot_general3A_109 = arith.constant dense<0.000000e+00> : vector<1024x512xf32>
    %dot_general3A_110 = tpu.matmul %get3A_108, %slice3A_105, %dot_general3A_109 {dimension_numbers = #tpu.dot_dimension_numbers<[1], [0], [0], [1], [0, 0, 1, 1], [], []>, transpose_lhs_hint = false} : vector<1024x32xf32>, vector<32x512xf32>, vector<1024x512xf32> -> vector<1024x512xf32>
    %get3A_111 = arith.constant 0 : index
    %get3A_112 = arith.constant 0 : index
    %get3A_113 = vector.load %arg4[%get3A_111, %get3A_112] : memref<8192x1xf32, #tpu.memory_space<vmem>>, vector<1024x1xf32>
    %add3A_114 = vector.broadcast %get3A_113 : vector<1024x1xf32> to vector<1024x512xf32>
    %add3A_115 = arith.addf %add3A_114, %dot_general3A_110 : vector<1024x512xf32>
    %swap3A_116 = arith.constant 0 : index
    %swap3A_117 = arith.constant 0 : index
    %swap3A_118 = vector.load %arg7[%swap3A_116, %swap3A_117] : memref<8192x512xf32, #tpu.memory_space<vmem>>, vector<1024x512xf32>
    tpu.vector_store %arg7[%swap3A_116, %swap3A_117], %add3A_115 {strides = array<i32>} : memref<8192x512xf32, #tpu.memory_space<vmem>>, vector<1024x512xf32>,
    %get3A_119 = arith.constant 1024 : index
    %get3A_120 = arith.constant 0 : index
    %get3A_121 = vector.load %arg3[%get3A_119, %get3A_120] : memref<8192x32xf32, #tpu.memory_space<vmem>>, vector<1024x32xf32>
    %dot_general3A_122 = arith.constant dense<0.000000e+00> : vector<1024x512xf32>
    %dot_general3A_123 = tpu.matmul %get3A_121, %slice3A_105, %dot_general3A_122 {dimension_numbers = #tpu.dot_dimension_numbers<[1], [0], [0], [1], [0, 0, 1, 1], [], []>, transpose_lhs_hint = false} : vector<1024x32xf32>, vector<32x512xf32>, vector<1024x512xf32> -> vector<1024x512xf32>
    %get3A_124 = arith.constant 1024 : index
    %get3A_125 = arith.constant 0 : index
    %get3A_126 = vector.load %arg4[%get3A_124, %get3A_125] : memref<8192x1xf32, #tpu.memory_space<vmem>>, vector<1024x1xf32>
    %add3A_127 = vector.broadcast %get3A_126 : vector<1024x1xf32> to vector<1024x512xf32>
    %add3A_128 = arith.addf %add3A_127, %dot_general3A_123 : vector<1024x512xf32>
    %swap3A_129 = arith.constant 1024 : index
    %swap3A_130 = arith.constant 0 : index
    %swap3A_131 = vector.load %arg7[%swap3A_129, %swap3A_130] : memref<8192x512xf32, #tpu.memory_space<vmem>>, vector<1024x512xf32>
    tpu.vector_store %arg7[%swap3A_129, %swap3A_130], %add3A_128 {strides = array<i32>} : memref<8192x512xf32, #tpu.memory_space<vmem>>, vector<1024x512xf32>,
    %get3A_132 = arith.constant 2048 : index
    %get3A_133 = arith.constant 0 : index
    %get3A_134 = vector.load %arg3[%get3A_132, %get3A_133] : memref<8192x32xf32, #tpu.memory_space<vmem>>, vector<1024x32xf32>
    %dot_general3A_135 = arith.constant dense<0.000000e+00> : vector<1024x512xf32>
    %dot_general3A_136 = tpu.matmul %get3A_134, %slice3A_105, %dot_general3A_135 {dimension_numbers = #tpu.dot_dimension_numbers<[1], [0], [0], [1], [0, 0, 1, 1], [], []>, transpose_lhs_hint = false} : vector<1024x32xf32>, vector<32x512xf32>, vector<1024x512xf32> -> vector<1024x512xf32>
    %get3A_137 = arith.constant 2048 : index
    %get3A_138 = arith.constant 0 : index
    %get3A_139 = vector.load %arg4[%get3A_137, %get3A_138] : memref<8192x1xf32, #tpu.memory_space<vmem>>, vector<1024x1xf32>
    %add3A_140 = vector.broadcast %get3A_139 : vector<1024x1xf32> to vector<1024x512xf32>
    %add3A_141 = arith.addf %add3A_140, %dot_general3A_136 : vector<1024x512xf32>
    %swap3A_142 = arith.constant 2048 : index
    %swap3A_143 = arith.constant 0 : index
    %swap3A_144 = vector.load %arg7[%swap3A_142, %swap3A_143] : memref<8192x512xf32, #tpu.memory_space<vmem>>, vector<1024x512xf32>
    tpu.vector_store %arg7[%swap3A_142, %swap3A_143], %add3A_141 {strides = array<i32>} : memref<8192x512xf32, #tpu.memory_space<vmem>>, vector<1024x512xf32>,
    %get3A_145 = arith.constant 3072 : index
    %get3A_146 = arith.constant 0 : index
    %get3A_147 = vector.load %arg3[%get3A_145, %get3A_146] : memref<8192x32xf32, #tpu.memory_space<vmem>>, vector<1024x32xf32>
    %dot_general3A_148 = arith.constant dense<0.000000e+00> : vector<1024x512xf32>
    %dot_general3A_149 = tpu.matmul %get3A_147, %slice3A_105, %dot_general3A_148 {dimension_numbers = #tpu.dot_dimension_numbers<[1], [0], [0], [1], [0, 0, 1, 1], [], []>, transpose_lhs_hint = false} : vector<1024x32xf32>, vector<32x512xf32>, vector<1024x512xf32> -> vector<1024x512xf32>
    %get3A_150 = arith.constant 3072 : index
    %get3A_151 = arith.constant 0 : index
    %get3A_152 = vector.load %arg4[%get3A_150, %get3A_151] : memref<8192x1xf32, #tpu.memory_space<vmem>>, vector<1024x1xf32>
    %add3A_153 = vector.broadcast %get3A_152 : vector<1024x1xf32> to vector<1024x512xf32>
    %add3A_154 = arith.addf %add3A_153, %dot_general3A_149 : vector<1024x512xf32>
    %swap3A_155 = arith.constant 3072 : index
    %swap3A_156 = arith.constant 0 : index
    %swap3A_157 = vector.load %arg7[%swap3A_155, %swap3A_156] : memref<8192x512xf32, #tpu.memory_space<vmem>>, vector<1024x512xf32>
    tpu.vector_store %arg7[%swap3A_155, %swap3A_156], %add3A_154 {strides = array<i32>} : memref<8192x512xf32, #tpu.memory_space<vmem>>, vector<1024x512xf32>,
    %get3A_158 = arith.constant 4096 : index
    %get3A_159 = arith.constant 0 : index
    %get3A_160 = vector.load %arg3[%get3A_158, %get3A_159] : memref<8192x32xf32, #tpu.memory_space<vmem>>, vector<1024x32xf32>
    %dot_general3A_161 = arith.constant dense<0.000000e+00> : vector<1024x512xf32>
    %dot_general3A_162 = tpu.matmul %get3A_160, %slice3A_105, %dot_general3A_161 {dimension_numbers = #tpu.dot_dimension_numbers<[1], [0], [0], [1], [0, 0, 1, 1], [], []>, transpose_lhs_hint = false} : vector<1024x32xf32>, vector<32x512xf32>, vector<1024x512xf32> -> vector<1024x512xf32>
    %get3A_163 = arith.constant 4096 : index
    %get3A_164 = arith.constant 0 : index
    %get3A_165 = vector.load %arg4[%get3A_163, %get3A_164] : memref<8192x1xf32, #tpu.memory_space<vmem>>, vector<1024x1xf32>
    %add3A_166 = vector.broadcast %get3A_165 : vector<1024x1xf32> to vector<1024x512xf32>
    %add3A_167 = arith.addf %add3A_166, %dot_general3A_162 : vector<1024x512xf32>
    %swap3A_168 = arith.constant 4096 : index
    %swap3A_169 = arith.constant 0 : index
    %swap3A_170 = vector.load %arg7[%swap3A_168, %swap3A_169] : memref<8192x512xf32, #tpu.memory_space<vmem>>, vector<1024x512xf32>
    tpu.vector_store %arg7[%swap3A_168, %swap3A_169], %add3A_167 {strides = array<i32>} : memref<8192x512xf32, #tpu.memory_space<vmem>>, vector<1024x512xf32>,
    %get3A_171 = arith.constant 5120 : index
    %get3A_172 = arith.constant 0 : index
    %get3A_173 = vector.load %arg3[%get3A_171, %get3A_172] : memref<8192x32xf32, #tpu.memory_space<vmem>>, vector<1024x32xf32>
    %dot_general3A_174 = arith.constant dense<0.000000e+00> : vector<1024x512xf32>
    %dot_general3A_175 = tpu.matmul %get3A_173, %slice3A_105, %dot_general3A_174 {dimension_numbers = #tpu.dot_dimension_numbers<[1], [0], [0], [1], [0, 0, 1, 1], [], []>, transpose_lhs_hint = false} : vector<1024x32xf32>, vector<32x512xf32>, vector<1024x512xf32> -> vector<1024x512xf32>
    %get3A_176 = arith.constant 5120 : index
    %get3A_177 = arith.constant 0 : index
    %get3A_178 = vector.load %arg4[%get3A_176, %get3A_177] : memref<8192x1xf32, #tpu.memory_space<vmem>>, vector<1024x1xf32>
    %add3A_179 = vector.broadcast %get3A_178 : vector<1024x1xf32> to vector<1024x512xf32>
    %add3A_180 = arith.addf %add3A_179, %dot_general3A_175 : vector<1024x512xf32>
    %swap3A_181 = arith.constant 5120 : index
    %swap3A_182 = arith.constant 0 : index
    %swap3A_183 = vector.load %arg7[%swap3A_181, %swap3A_182] : memref<8192x512xf32, #tpu.memory_space<vmem>>, vector<1024x512xf32>
    tpu.vector_store %arg7[%swap3A_181, %swap3A_182], %add3A_180 {strides = array<i32>} : memref<8192x512xf32, #tpu.memory_space<vmem>>, vector<1024x512xf32>,
    %get3A_184 = arith.constant 6144 : index
    %get3A_185 = arith.constant 0 : index
    %get3A_186 = vector.load %arg3[%get3A_184, %get3A_185] : memref<8192x32xf32, #tpu.memory_space<vmem>>, vector<1024x32xf32>
    %dot_general3A_187 = arith.constant dense<0.000000e+00> : vector<1024x512xf32>
    %dot_general3A_188 = tpu.matmul %get3A_186, %slice3A_105, %dot_general3A_187 {dimension_numbers = #tpu.dot_dimension_numbers<[1], [0], [0], [1], [0, 0, 1, 1], [], []>, transpose_lhs_hint = false} : vector<1024x32xf32>, vector<32x512xf32>, vector<1024x512xf32> -> vector<1024x512xf32>
    %get3A_189 = arith.constant 6144 : index
    %get3A_190 = arith.constant 0 : index
    %get3A_191 = vector.load %arg4[%get3A_189, %get3A_190] : memref<8192x1xf32, #tpu.memory_space<vmem>>, vector<1024x1xf32>
    %add3A_192 = vector.broadcast %get3A_191 : vector<1024x1xf32> to vector<1024x512xf32>
    %add3A_193 = arith.addf %add3A_192, %dot_general3A_188 : vector<1024x512xf32>
    %swap3A_194 = arith.constant 6144 : index
    %swap3A_195 = arith.constant 0 : index
    %swap3A_196 = vector.load %arg7[%swap3A_194, %swap3A_195] : memref<8192x512xf32, #tpu.memory_space<vmem>>, vector<1024x512xf32>
    tpu.vector_store %arg7[%swap3A_194, %swap3A_195], %add3A_193 {strides = array<i32>} : memref<8192x512xf32, #tpu.memory_space<vmem>>, vector<1024x512xf32>,
    %get3A_197 = arith.constant 7168 : index
    %get3A_198 = arith.constant 0 : index
    %get3A_199 = vector.load %arg3[%get3A_197, %get3A_198] : memref<8192x32xf32, #tpu.memory_space<vmem>>, vector<1024x32xf32>
    %dot_general3A_200 = arith.constant dense<0.000000e+00> : vector<1024x512xf32>
    %dot_general3A_201 = tpu.matmul %get3A_199, %slice3A_105, %dot_general3A_200 {dimension_numbers = #tpu.dot_dimension_numbers<[1], [0], [0], [1], [0, 0, 1, 1], [], []>, transpose_lhs_hint = false} : vector<1024x32xf32>, vector<32x512xf32>, vector<1024x512xf32> -> vector<1024x512xf32>
    %get3A_202 = arith.constant 7168 : index
    %get3A_203 = arith.constant 0 : index
    %get3A_204 = vector.load %arg4[%get3A_202, %get3A_203] : memref<8192x1xf32, #tpu.memory_space<vmem>>, vector<1024x1xf32>
    %add3A_205 = vector.broadcast %get3A_204 : vector<1024x1xf32> to vector<1024x512xf32>
    %add3A_206 = arith.addf %add3A_205, %dot_general3A_201 : vector<1024x512xf32>
    %swap3A_207 = arith.constant 7168 : index
    %swap3A_208 = arith.constant 0 : index
    %swap3A_209 = vector.load %arg7[%swap3A_207, %swap3A_208] : memref<8192x512xf32, #tpu.memory_space<vmem>>, vector<1024x512xf32>
    tpu.vector_store %arg7[%swap3A_207, %swap3A_208], %add3A_206 {strides = array<i32>} : memref<8192x512xf32, #tpu.memory_space<vmem>>, vector<1024x512xf32>,
    %get3A_210 = arith.constant 0 : index
    %get3A_211 = arith.constant 0 : index
    %get3A_212 = vector.load %arg6[%get3A_210, %get3A_211] : memref<8192x512xf32, #tpu.memory_space<vmem>>, vector<8192x512xf32>
    %argmin3A = tpu.reduce_index %get3A_212 {axis = 0 : i32, kind = #tpu.reduction_kind<arg_min>} : vector<8192x512xf32> -> vector<512xi32>
    %get3A_213 = arith.constant 0 : index
    %get3A_214 = arith.constant 0 : index
    %get3A_215 = vector.load %arg7[%get3A_213, %get3A_214] : memref<8192x512xf32, #tpu.memory_space<vmem>>, vector<8192x512xf32>
    %argmin3A_216 = tpu.reduce_index %get3A_215 {axis = 0 : i32, kind = #tpu.reduction_kind<arg_min>} : vector<8192x512xf32> -> vector<512xi32>
    %concatenate3A = tpu.concatenate %argmin3A, %argmin3A_216 in 0 : vector<512xi32>, vector<512xi32> -> vector<1024xi32>
    %broadcast_in_dim3A = vector.shape_cast %concatenate3A : vector<1024xi32> to vector<1x1024xi32>
    %swap3A_217 = arith.constant 0 : index
    %swap3A_218 = arith.constant 0 : index
    %swap3A_219 = arith.constant 0 : index
    %swap3A_220 = vector.load %arg5[%swap3A_217, %swap3A_218, %swap3A_219] : memref<1x1x1024xi32, #tpu.memory_space<vmem>>, vector<1x1x1024xi32>
    %swap3A_221 = vector.shape_cast %swap3A_220 : vector<1x1x1024xi32> to vector<1x1024xi32>
    %swap3A_222 = vector.shape_cast %broadcast_in_dim3A : vector<1x1024xi32> to vector<1x1x1024xi32>
    tpu.vector_store %arg5[%swap3A_217, %swap3A_218, %swap3A_219], %swap3A_222 {strides = array<i32>} : memref<1x1x1024xi32, #tpu.memory_space<vmem>>, vector<1x1x1024xi32>,
    return
  }
  func.func @transform_0(%arg0: i32, %arg1: i32) -> (i32, i32, i32) {
    %c0_i32 = arith.constant 0 : i32
    %c0_i32_0 = arith.constant 0 : i32
    return %arg0, %c0_i32, %arg1 : i32, i32, i32
  }
  func.func @transform_1(%arg0: i32, %arg1: i32) -> (i32, i32) {
    %c0_i32 = arith.constant 0 : i32
    %c0_i32_0 = arith.constant 0 : i32
    %c0_i32_1 = arith.constant 0 : i32
    return %c0_i32, %c0_i32_0 : i32, i32
  }
  func.func @transform_2(%arg0: i32, %arg1: i32) -> (i32, i32) {
    %c0_i32 = arith.constant 0 : i32
    %c0_i32_0 = arith.constant 0 : i32
    %c0_i32_1 = arith.constant 0 : i32
    return %c0_i32, %c0_i32_0 : i32, i32
  }
  func.func @transform_3(%arg0: i32, %arg1: i32) -> (i32, i32, i32) {
    %mul3A = arith.constant 4 : i32
    %mul3A_0 = arith.muli %arg0, %mul3A : i32
    %add3A = arith.addi %mul3A_0, %arg1 : i32
    %c0_i32 = arith.constant 0 : i32
    %c0_i32_1 = arith.constant 0 : i32
    %c0_i32_2 = arith.constant 0 : i32
    return %add3A, %c0_i32, %c0_i32_1 : i32, i32, i32
  }
}

module attributes {stable_mosaic.version = 14 : i64} {
  func.func @_loss_body(%arg0: memref<32x16xf32, #tpu.memory_space<vmem>>, %arg1: memref<1x1xf32, #tpu.memory_space<vmem>>) attributes {dimension_semantics = [], scalar_prefetch = 0 : i64, scratch_operands = 0 : i64, tpu.core_type = #tpu.core_type<tc>} {
    %get3A = arith.constant 0 : index
    %get3A_0 = arith.constant 0 : index
    %get3A_1 = vector.load %arg0[%get3A, %get3A_0] : memref<32x16xf32, #tpu.memory_space<vmem>>, vector<32x16xf32>
    %reduce_sum3A = vector.shape_cast %get3A_1 : vector<32x16xf32> to vector<1x32x16xf32>
    %reduce_sum3A_2 = arith.constant dense<0.000000e+00> : vector<1xf32>
    %reduce_sum3A_3 = vector.multi_reduction <add>, %reduce_sum3A, %reduce_sum3A_2 [1, 2] : vector<1x32x16xf32> to vector<1xf32>
    %reduce_sum3A_4 = vector.shape_cast %reduce_sum3A_3 : vector<1xf32> to vector<1x1x1xf32>
    %reduce_sum3A_5 = vector.extract %reduce_sum3A_4[0, 0, 0] : f32 from vector<1x1x1xf32>
    %mul3A = arith.constant 1.1920929E-6 : f32
    %mul3A_6 = arith.mulf %reduce_sum3A_5, %mul3A : f32
    %broadcast_in_dim3A = vector.broadcast %mul3A_6 : f32 to vector<1x1xf32>
    %swap3A = arith.constant 0 : index
    %swap3A_7 = arith.constant 0 : index
    %swap3A_8 = vector.load %arg1[%swap3A, %swap3A_7] : memref<1x1xf32, #tpu.memory_space<vmem>>, vector<1x1xf32>
    tpu.vector_store %arg1[%swap3A, %swap3A_7], %broadcast_in_dim3A {strides = array<i32>} : memref<1x1xf32, #tpu.memory_space<vmem>>, vector<1x1xf32>,
    return
  }
}

</mosaic_0001>

<sc_bundles>
// kernel: kernel.6.cloned.1.call-start
scs
__scs_entry_jumppad:
0x0: {  	(pc) =	sbr.rel $0x88, $3  }
0x1: {  	(tag) =	ssettag $0x0;
	lr =	simm.s32 $0x1  }
0x2: {  	[smem:$0x3F9F] =	sst lr;
	_ =	strace $0xD0000000  }
0x3: {  	_ = 	snop  }
0x4: {  	_ = 	snop  }
0x5: {  	_ = 	snop  }
0x6: {  	_ = 	snop  }
0x7: {  	_ = 	snop  }
__scs_overlays_trampoline_lowered:
0x8: {  	[smem:$0x3FAE] =	sst s0  }
0x9: {  	[smem:$0x3FAF] =	sst s1  }
0xa: {  	[smem:$0x3FB0] =	sst s2  }
0xb: {  	[smem:$0x3FB1] =	sst s3  }
0xc: {  	[smem:$0x3FB2] =	sst s4  }
0xd: {  	[smem:$0x3FB3] =	sst s5  }
0xe: {  	[smem:$0x3FB4] =	sst s6  }
0xf: {  	[smem:$0x3FB5] =	sst s7  }
0x10: {  	[smem:$0x3FB6] =	sst s8  }
0x11: {  	[smem:$0x3FB7] =	sst s9;
	s0 =	simm.s32 @!p0 $0x0  }
0x12: {  	s1 =	sld [smem:$0x3F9D];
	s0 =	simm.s32 @p0 $0x1  }
0x13: {  	[smem:$0x3FB8] =	sst s0;
	s0 =	simm.s32 @!p1 $0x0  }
0x14: {  	s2 =	sld [smem:$0x3F9C];
	s0 =	simm.s32 @p1 $0x1  }
0x15: {  	[smem:$0x3FB9] =	sst s0;
	s0 =	simm.s32 @!p2 $0x0  }
0x16: {  	s3 =	sld [smem:$0x3FDB];
	s0 =	simm.s32 @p2 $0x1  }
0x17: {  	s4 =	simm.s32 $0x1BF5;
	[smem:$0x3FBB] =	sst s0  }
0x18: {  	s0 =	sld [smem:$0x3F9E];
	_ =	swait.ge [sflag:s4], $0x0  }
0x19: {  	s7 =	sld [smem:$0x3F9F]  }
0x1a: {  	s8 =	sadd.s32 $0xFFFFE003, lr  }
0x1b: {  	s9 =	sadd.s32 $0xFFFFFEF7, lr;
	s5 =	simm.s32 $0xFFFFFFFF;
	p2 =	slt.u32 s8, $0xFFFFF086  }
0x1c: {  	p1 =	slt.u32 s9, $0xF7A;
	s5 =	simm.s32 @!p2 $0x0  }
0x1d: {  	s5 =	simm.s32 @p1 $0x1;
	p0 =	seq.s32 s7, s2  }
0x1e: {  	s7 =	smul.u32 @!p0 $0xF7A, s2;
	p2 =	seq.s32 @!p0 s5, $0x0  }
0x1f: {  	s9 =	smul.u32 $0xF7A, s1;
	s8 =	simm.s32 @!p0 $0x1BF5;
	p2 =	por !p2, p0  }
0x20: {  	[sflag:s8] =	ssyncset.s32 @!p0 $0xFFFFF086;
	s6 =	sadd.s32 @!p0 s3, s7;
	s7 =	simm.s32 @!p0 $0x108  }
0x21: {  	s3 =	sadd.s32 s3, s9;
	s6 =	sadd.s32 @!p0 $0x88, s6;
	s7 =	simm.s32 @p2 $0x1082  }
0x22: {  	[simem:s7], [sflag:s8] =	dma.local @!p0 [hbm:s6], $0xF7A  }
0x23: {  	s9 =	sor.u32 $0xD0000000, s2;
	s6 =	simm.s32 $0x108;
	_ =	swait.ge @!p0 [sflag:s8], $0x0  }
0x24: {  	s3 =	sadd.s32 $0x88, s3;
	s6 =	simm.s32 @!p1 $0x1082;
	[sflag:s4] =	ssyncset.s32 $0xFFFFF086  }
0x25: {  	[simem:s6], [sflag:s4] =	dma.local [hbm:s3], $0xF7A  }
0x26: {  	[smem:$0x3F9F] =	sst s1;
	(tag) =	ssettag s2;
	_ =	strace s9  }
0x27: {  	s1 =	sld [smem:$0x3FAF]  }
0x28: {  	s2 =	sld [smem:$0x3FB0]  }
0x29: {  	s4 =	sld [smem:$0x3FB2]  }
0x2a: {  	p0 =	seq.s32 s5, $0x0;
	s5 =	sld [smem:$0x3FB3]  }
0x2b: {  	s6 =	sld [smem:$0x3FB4]  }
0x2c: {  	s7 =	sld [smem:$0x3FB5]  }
0x2d: {  	s3 =	simm.s32 $0x108;
	s8 =	sld [smem:$0x3FB6]  }
0x2e: {  	s3 =	simm.s32 @!p0 $0x1082;
	s9 =	sld [smem:$0x3FB7]  }
0x2f: {  	lr =	sadd.s32 s0, s3;
	s0 =	sld [smem:$0x3FAE]  }
0x30: {  	s3 =	sld [smem:$0x3FB1]  }
0x31: {  	[smem:$0x3FBA] =	sst s10  }
0x32: {  	s10 =	sld [smem:$0x3FB8];
	_ =	sdelay $0x3  }
0x33: {  	p0 =	seq.s32 s10, $0x1;
	s10 =	sld [smem:$0x3FBA];
	_ =	sdelay $0x3  }
0x34: {  	[smem:$0x3FBA] =	sst s10  }
0x35: {  	s10 =	sld [smem:$0x3FB9];
	_ =	sdelay $0x3  }
0x36: {  	p1 =	seq.s32 s10, $0x1;
	s10 =	sld [smem:$0x3FBA];
	_ =	sdelay $0x3  }
0x37: {  	[smem:$0x3FBA] =	sst s10  }
0x38: {  	s10 =	sld [smem:$0x3FBB]  }
0x39: {  	_ = 	snop;
	(pc) =	sbr.ind lr, $3  }
0x3a: {  	_ = 	snop  }
0x3b: {  	_ = 	snop  }
0x3c: {  	p2 =	seq.s32 s10, $0x1;
	s10 =	sld [smem:$0x3FBA]  }
0x3d: {  	_ =	shalt  }
0x3e: {  	_ =	shalt  }
0x3f: {  	_ =	shalt  }
0x40: {  	_ =	shalt  }
0x41: {  	_ =	shalt  }
0x42: {  	_ =	shalt  }
0x43: {  	_ =	shalt  }
0x44: {  	_ =	shalt  }
0x45: {  	_ =	shalt  }
0x46: {  	_ =	shalt  }
0x47: {  	_ =	shalt  }
0x48: {  	_ =	shalt  }
0x49: {  	_ =	shalt  }
0x4a: {  	_ =	shalt  }
0x4b: {  	_ =	shalt  }
0x4c: {  	_ =	shalt  }
0x4d: {  	_ =	shalt  }
0x4e: {  	_ =	shalt  }
0x4f: {  	_ =	shalt  }
0x50: {  	_ =	shalt  }
0x51: {  	_ =	shalt  }
0x52: {  	_ =	shalt  }
0x53: {  	_ =	shalt  }
0x54: {  	_ =	shalt  }
0x55: {  	_ =	shalt  }
0x56: {  	_ =	shalt  }
0x57: {  	_ =	shalt  }
0x58: {  	_ =	shalt  }
0x59: {  	_ =	shalt  }
0x5a: {  	_ =	shalt  }
0x5b: {  	_ =	shalt  }
0x5c: {  	_ =	shalt  }
0x5d: {  	_ =	shalt  }
0x5e: {  	_ =	shalt  }
0x5f: {  	_ =	shalt  }
0x60: {  	_ =	shalt  }
0x61: {  	_ =	shalt  }
0x62: {  	_ =	shalt  }
0x63: {  	_ =	shalt  }
0x64: {  	_ =	shalt  }
0x65: {  	_ =	shalt  }
0x66: {  	_ =	shalt  }
0x67: {  	_ =	shalt  }
0x68: {  	_ =	shalt  }
0x69: {  	_ =	shalt  }
0x6a: {  	_ =	shalt  }
0x6b: {  	_ =	shalt  }
0x6c: {  	_ =	shalt  }
0x6d: {  	_ =	shalt  }
0x6e: {  	_ =	shalt  }
0x6f: {  	_ =	shalt  }
0x70: {  	_ =	shalt  }
0x71: {  	_ =	shalt  }
0x72: {  	_ =	shalt  }
0x73: {  	_ =	shalt  }
0x74: {  	_ =	shalt  }
0x75: {  	_ =	shalt  }
0x76: {  	_ =	shalt  }
0x77: {  	_ =	shalt  }
0x78: {  	_ =	shalt  }
0x79: {  	_ =	shalt  }
0x7a: {  	_ =	shalt  }
0x7b: {  	_ =	shalt  }
0x7c: {  	_ =	shalt  }
0x7d: {  	_ =	shalt  }
0x7e: {  	_ =	shalt  }
0x7f: {  	_ =	shalt  }
0x80: {  	_ =	shalt  }
0x81: {  	_ =	shalt  }
0x82: {  	_ =	shalt  }
0x83: {  	_ =	shalt  }
0x84: {  	_ =	shalt  }
0x85: {  	_ =	shalt  }
0x86: {  	_ =	shalt  }
0x87: {  	_ =	shalt  }
.Lfunc_end0:
.L_simem_size_0:
called_computation_lowered:
.L_overlay_start_0:
0x88: {  	s2 =	sld [smem:$0x3FD9]  }
0x89: {  	s3 =	sld [smem:$0x3FFE];
	_ =	sdelay $0x1  }
0x8a: {  	s1 =	srdreg.scid  }
0x8b: {  	s0 =	sand.u32 $0x1, s1  }
0x8c: {  	s14 =	sshll.u32 s0, $0xA;
	s2 =	sadd.s32 s3, s2  }
0x8d: {  	s2 =	sadd.s32 s2, s14  }
0x8e: {  	[smem:$0x3FC6] =	sst s2  }
0x8f: {  	_ = 	snop  }
0x90: {  	s2 =	sld [smem:$0x3FD0];
	_ =	sdelay $0x2  }
0x91: {  	s4 =	simm.s32 $0xA;
	s5 =	simm.s32 $0x10;
	s15 =	sld [smem:$0x3FC8]  }
0x92: {  	[smem:s5], [sflag:s4] =	dma.local [hbm:s2], $0x1  }
0x93: {  	_ =	swait.eq [sflag:s4], $0x1  }
0x94: {  	[sflag:s4] =	ssyncset.done $0x0  }
0x95: {  	[sflag:s4] =	ssyncadd.s32 $0xFFFFFFFF  }
0x96: {  	s16 =	sld [smem:$0x10];
	(tm) =	ssettm $0x1  }
0x97: {  	s17 =	sld [smem:$0x3FFB];
	_ =	sdelay $0x3  }
0x98: {  	_ =	strace s17  }
0x99: {  	s4 =	sld [smem:$0x3FFC];
	_ =	sdelay $0x3  }
0x9a: {  	_ =	strace s4  }
0x9b: {  	s4 =	sld [smem:$0x3FFD];
	_ =	sdelay $0x3  }
0x9c: {  	_ =	strace s4  }
0x9d: {  	_ =	strace $0x8FFFFFFF  }
0x9e: {  	s18 =	sld [smem:$0x3FDB];
	_ =	sdelay $0x1  }
0x9f: {  	s19 =	simm.s32 $_scs_section_size  }
0xa0: {  	s6 =	simm.s32 $_size__tile_overlayer_lowered;
	s7 =	simm.s32 $_tile_overlayer_lowered  }
0xa1: {  	s22 =	simm.s32 $0x1BFF;
	s21 =	sshll.u32 s7, $0x1;
	s4 =	sadd.s32 s19, s18  }
0xa2: {  	s8 =	simm.s32 $0x0;
	s20 =	sshll.u32 s6, $0x1;
	s6 =	sadd.s32 s21, s4  }
0xa3: {  	[timem:s8], [sflag:s22] =	dma.local [hbm:s6], s20  }
0xa4: {  	_ =	swait.ge [sflag:s22], s20  }
0xa5: {  	s5 =	ssub.s32 $0x0, s20;
	[sflag:s22] =	ssyncset.done $0x0  }
0xa6: {  	[sflag:s22] =	ssyncadd.s32 s5;
	_ =	sdelay $0x1  }
0xa7: {  	s23 =	simm.s32 $0x1B8B  }
0xa8: {  	_ =	swait.ge [sflag:s23], $0x1  }
0xa9: {  	[sflag:s23] =	ssyncset.done $0x0  }
0xaa: {  	s25 =	simm.s32 $0x1B8E;
	s24 =	sld [smem:$0x3FFE];
	[sflag:s23] =	ssyncadd.s32 $0xFFFFFFFF  }
0xab: {  	s26 =	simm.s32 $execute0_lowered;
	[smem:$0x3FD2] =	sst s25  }
0xac: {  	s6 =	sshll.u32 s26, $0x1;
	_ =	strace $0x80000046;
	[dreg:$0x1] =	wrdreg $0xFFFFFFFF  }
0xad: {  	s28 =	simm.s32 $_size_execute0_lowered;
	s4 =	sadd.s32 s4, s6;
	[dreg:$0x0] =	wrdreg $0x0  }
0xae: {  	s6 =	sshll.u32 s28, $0x1;
	[dreg:$0x2] =	wrdreg s4  }
0xaf: {  	[dreg:$0x3] =	wrdreg s6  }
0xb0: {  	[dreg:$0x4] =	wrdreg $0xC0  }
0xb1: {  	_ =	task [dreg:s8], $0x5FFFF  }
0xb2: {  	[dreg:$0x1] =	wrdreg $0xFFFFFFFF  }
0xb3: {  	[dreg:$0x0] =	wrdreg $0x60  }
0xb4: {  	[dreg:$0x2] =	wrdreg s15  }
0xb5: {  	[dreg:$0x3] =	wrdreg s16  }
0xb6: {  	[dreg:$0x4] =	wrdreg s24  }
0xb7: {  	[dreg:$0x5] =	wrdreg $0x9  }
0xb8: {  	_ =	task.clear_ibuf [dreg:s8], $0x6FFFF;
	_ =	strace $0x90000046  }
0xb9: {  	s29 =	simm.s32 $0x9;
	_ =	strace $0x80000048  }
0xba: {  	_ =	swait.ge [sflag:s29], $0x1  }
0xbb: {  	[sflag:s29] =	ssyncadd.s32 $0xFFFFFFFF  }
0xbc: {  	_ =	strace $0x90000048  }
0xbd: {  	_ =	sfence  }
0xbe: {  	s30 =	sld [smem:$0x0];
	_ =	sdelay $0x2  }
0xbf: {  	s31 =	sshll.u32 s1, $0xD;
	s1 =	sshrl.u32 s1, $0x2  }
0xc0: {  	s3 =	sand.u32 $0x4000, s31;
	s1 =	sadd.s32 s1, s30  }
0xc1: {  	s0 =	sor.u32 s3, s0;
	s1 =	sshll.u32 s1, $0x11  }
0xc2: {  	s0 =	sor.u32 s1, s0  }
0xc3: {  	s0 =	sadd.s32 $0x8F2B, s0  }
0xc4: {  	[sflag:s0] =	ssyncadd.remote.s32 $0x1  }
0xc5: {  	_ =	sfence.sel $0xFFFF  }
0xc6: {  	[dreg:$0x0] =	wrdreg $0xFFFFFFFF;
	(pc) =	sbr.abs _section_cstart, $3  }
0xc7: {  	[dreg:$0x1] =	wrdreg $0xFFFFFFFF  }
0xc8: {  	_ =	task.clear_ibuf [dreg:s8], $0x2FFFF;
	_ =	strace $0x9FFFFFFF  }
0xc9: {  	(tm) =	ssettm $0x7FFFFFFF  }
tec
execute0_lowered:
.L_overlay_start_1:
0x0: {  	(tag) =	ssettag $0x1  }
0x1: {  	s4 =	rddreg [dreg:$0x0]  }
0x2: {  	s5 =	rddreg [dreg:$0x1]  }
0x3: {  	s6 =	rddreg [dreg:$0x2];
	s2 =	srdreg.scid  }
0x4: {  	s1 =	stileid.u32;
	s0 =	rddreg [dreg:$0x3]  }
0x5: {  	s14 =	simm.s32 $0x2;
	s15 =	simm.s32 $0x3;
	s16 =	simm.s32 $0x4  }
0x6: {  	s17 =	simm.s32 $0x1A000;
	s18 =	simm.s32 $0x0;
	s7 =	sand.u32 $0x1, s2  }
0x7: {  	s26 =	sshll.u32 s1, $0x8;
	s8 =	sshrl.u32 s1, $0x2;
	s2 =	simm.s32 $0x0  }
0x8: {  	s3 =	sshll.u32 s7, $0x7;
	s9 =	sand.u32 $0x300, s26;
	s28 =	sshll.u32 s8, $0xF  }
0x9: {  	[smem:$0x7FF] =	sst s2;
	s12 =	sshll.u32 s8, $0xA;
	s7 =	ssub.s32 $0x2, s7  }
0xa: {  	s8 =	sshll.u32 s8, $0x10;
	s9 =	sor.u32 s3, s9;
	_ =	strace $0x80000047  }
0xb: {  	s13 =	sshrl.u32 s7, $0x1;
	s3 =	sor.u32 s28, s9;
	s12 =	sor.u32 s12, s9  }
0xc: {  	s8 =	sor.u32 s8, s9;
	s30 =	ssub.s32 s7, s13;
	s9 =	simm.s32 $0x80  }
0xd: {  	s13 =	simm.s32 $0x1;
	s10 =	sshrl.u32 s3, $0x3;
	s3 =	sadd.s32 $0x1200, s6  }
0xe: {  	s12 =	sshrl.u32 s12, $0x3;
	s31 =	sshrl.u32 s8, $0x3;
	s8 =	smax.u32 s30, $0x1  }
0xf: {  	s11 =	sadd.s32 s10, s6;
	s29 =	sadd.s32 s12, s6;
	s4 =	sadd.s32 s4, s31  }
0x10: {  	s5 =	sadd.s32 s5, s10;
	s10 =	simm.s32 $0x400;
	s12 =	simm.s32 $0x20000  }
0x11: {  	s6 =	sadd.s32 $0x2200, s11;
	s7 =	sadd.s32 $0x22200, s29;
	s11 =	simm.s32 $0x8000  }
.LBB2_1:
0x12: {  	[tilespmem:s2], [sflag:$0x1] =	stream.linear.gather [hbm4b:s3+s2], $0x8000, $0x38;
	[tilespmem:$0x1A080] =	vst v63  }
0x13: {  	s19 =	simm.s32 $0x12000  }
0x14: {  	s20 =	simm.s32 $0x80;
	s22 =	sadd.s32 $0x0, s5;
	s21 =	simm.s32 $0x12400  }
0x15: {  	[tilespmem:s11], [sflag:$0x2] =	stream.strided.gather [hbm4b:s4+s9], $0x2000, s10, s9, $0x38;
	[tilespmem:$0x1A080] =	vst v63  }
.LBB2_2:
0x16: {  	[tilespmem:s19], [sflag:$0x3] =	stream.strided.gather [hbm4b:s22+s9], $0x400, s12, s9, $0x38;
	[tilespmem:$0x1A080] =	vst v63  }
0x17: {  	s22 =	smov.u32 s20;
	s19 =	smov.u32 s21;
	p0 =	sne.s32 s20, $0xF80  }
.Ltmp0:
0x18: {  	s20 =	sadd.s32 $0x80, s20;
	(pc) =	sbr.rel @p0 .LBB2_2-.Ltmp0, $2  }
0x19: {  	_ =	sdelay $0x2  }
0x1a: {  	s21 =	sadd.s32 $0x400, s21;
	s22 =	sadd.s32 s22, s5  }
0x1b: {  	[tilespmem:s19], [sflag:$0x3] =	stream.strided.gather [hbm4b:s22+s9], $0x400, s12, s9, $0x38;
	[tilespmem:$0x1A080] =	vst v63  }
0x1c: {  	_ =	swait.ge [sflag:s13], $0x8000  }
0x1d: {  	[sflag:s13] =	ssyncset.done $0x0  }
0x1e: {  	[sflag:s13] =	ssyncadd.s32 $0xFFFF8000  }
0x1f: {  	_ =	swait.ge [sflag:s14], $0x2000  }
0x20: {  	[sflag:s14] =	ssyncset.done $0x0  }
0x21: {  	[sflag:s14] =	ssyncadd.s32 $0xFFFFE000  }
0x22: {  	_ =	swait.ge [sflag:s15], $0x8000  }
0x23: {  	s19 =	simm.s32 $0x0;
	[sflag:s15] =	ssyncset.done $0x0  }
0x24: {  	v0 =	vimm.f32 $0.0e+00;
	s20 =	simm.s32 $0x40;
	s21 =	simm.s32 $0x0;
	[sflag:s15] =	ssyncadd.s32 $0xFFFF8000  }
.LBB2_4:
0x25: {  	v1 =	vld [tilespmem:s20+$0xFFFFFFC0];
	_ =	sdelay $0x7  }
0x26: {  	v1 =	vld.idx.msk [tilespmem:v1+s11+$0x0], $0xffff;
	_ =	sdelay $0x3  }
0x27: {  	s22 =	sshra.s32 s21, $0x2  }
0x28: {  	[tilespmem:s22+$0xA000] =	vst v1  }
0x29: {  	v2 =	vld [tilespmem:s20+$0xFFFFFFD0];
	_ =	sdelay $0x7  }
0x2a: {  	v2 =	vld.idx.msk [tilespmem:v2+s11+$0x0], $0xffff;
	_ =	sdelay $0x4  }
0x2b: {  	[tilespmem:s22+$0xA010] =	vst v2  }
0x2c: {  	v3 =	vld [tilespmem:s20+$0xFFFFFFE0];
	_ =	sdelay $0x7  }
0x2d: {  	v3 =	vld.idx.msk [tilespmem:v3+s11+$0x0], $0xffff;
	_ =	sdelay $0x4  }
0x2e: {  	[tilespmem:s22+$0xA020] =	vst v3  }
0x2f: {  	v4 =	vld [tilespmem:s20+$0xFFFFFFF0];
	_ =	sdelay $0x7  }
0x30: {  	v4 =	vld.idx.msk [tilespmem:v4+s11+$0x0], $0xffff;
	_ =	sdelay $0x4  }
0x31: {  	[tilespmem:s22+$0xA030] =	vst v4  }
0x32: {  	v5 =	vld [tilespmem:s20+$0x0];
	_ =	sdelay $0x7  }
0x33: {  	v5 =	vld.idx.msk [tilespmem:v5+s11+$0x0], $0xffff;
	_ =	sdelay $0x4  }
0x34: {  	[tilespmem:s22+$0xA040] =	vst v5  }
0x35: {  	v6 =	vld [tilespmem:s20+$0x10];
	_ =	sdelay $0x7  }
0x36: {  	v6 =	vld.idx.msk [tilespmem:v6+s11+$0x0], $0xffff;
	_ =	sdelay $0x4  }
0x37: {  	[tilespmem:s22+$0xA050] =	vst v6  }
0x38: {  	v7 =	vld [tilespmem:s20+$0x20];
	_ =	sdelay $0x6  }
0x39: {  	v8 =	vld [tilespmem:s22+$0x12000]  }
0x3a: {  	v7 =	vld.idx.msk [tilespmem:v7+s11+$0x0], $0xffff;
	_ =	sdelay $0x1  }
0x3b: {  	v9 =	vld [tilespmem:s22+$0x12010];
	_ =	sdelay $0x1  }
0x3c: {  	v10 =	vld [tilespmem:s22+$0x12020]  }
0x3d: {  	v11 =	vld [tilespmem:s22+$0x12030];
	v1 =	vsub.f32 v1, v8;
	[tilespmem:s22+$0xA060] =	vst v7  }
0x3e: {  	v59 =	vld [tilespmem:s20+$0x30]  }
0x3f: {  	v1 =	vmul.f32 v1, v1;
	v2 =	vsub.f32 v2, v9  }
0x40: {  	v60 =	vld [tilespmem:s22+$0x12040]  }
0x41: {  	v0 =	vadd.f32 v1, v0;
	v1 =	vmul.f32 v2, v2;
	v2 =	vsub.f32 v3, v10  }
0x42: {  	v3 =	vld [tilespmem:s22+$0x12050]  }
0x43: {  	v0 =	vadd.f32 v1, v0;
	v1 =	vmul.f32 v2, v2;
	v2 =	vsub.f32 v4, v11  }
0x44: {  	v61 =	vld [tilespmem:s22+$0x12060]  }
0x45: {  	v63 =	vld [tilespmem:s22+$0x12070];
	v0 =	vadd.f32 v1, v0;
	v1 =	vmul.f32 v2, v2;
	v2 =	vsub.f32 v5, v60  }
0x46: {  	v62 =	vld.idx.msk [tilespmem:v59+s11+$0x0], $0xffff  }
0x47: {  	v0 =	vadd.f32 v1, v0;
	v2 =	vmul.f32 v2, v2;
	v1 =	vsub.f32 v6, v3;
	_ =	sdelay $0x1  }
0x48: {  	v0 =	vadd.f32 v2, v0;
	v1 =	vmul.f32 v1, v1;
	v2 =	vsub.f32 v7, v61  }
0x49: {  	p0 =	sne.s32 s21, $0x1F000  }
.Ltmp1:
0x4a: {  	v0 =	vadd.f32 v1, v0;
	v1 =	vmul.f32 v2, v2;
	v2 =	vsub.f32 v62, v63;
	(pc) =	sbr.rel @p0 .LBB2_4-.Ltmp1, $3  }
0x4b: {  	_ = 	snop  }
0x4c: {  	v0 =	vadd.f32 v1, v0;
	v1 =	vmul.f32 v2, v2;
	_ =	sdelay $0x1  }
0x4d: {  	s21 =	sadd.s32 $0x1000, s21;
	s20 =	sadd.s32 $0x80, s20;
	[tilespmem:s22+$0xA070] =	vst v62;
	v0 =	vadd.f32 v1, v0  }
0x4e: {  	s20 =	simm.s32 $0x1070  }
.LBB2_6:
0x4f: {  	v1 =	vld [tilespmem:s20+$0xFFFFFF90];
	_ =	sdelay $0x7  }
0x50: {  	v1 =	vld.idx.msk [tilespmem:v1+s11+$0x0], $0xffff;
	_ =	sdelay $0x3  }
0x51: {  	s21 =	sshra.s32 s19, $0x2  }
0x52: {  	[tilespmem:s21+$0xA080] =	vst v1  }
0x53: {  	v2 =	vld [tilespmem:s20+$0xFFFFFFA0];
	_ =	sdelay $0x7  }
0x54: {  	v2 =	vld.idx.msk [tilespmem:v2+s11+$0x0], $0xffff;
	_ =	sdelay $0x4  }
0x55: {  	[tilespmem:s21+$0xA090] =	vst v2  }
0x56: {  	v3 =	vld [tilespmem:s20+$0xFFFFFFB0];
	_ =	sdelay $0x7  }
0x57: {  	v3 =	vld.idx.msk [tilespmem:v3+s11+$0x0], $0xffff;
	_ =	sdelay $0x4  }
0x58: {  	[tilespmem:s21+$0xA0A0] =	vst v3  }
0x59: {  	v4 =	vld [tilespmem:s20+$0xFFFFFFC0];
	_ =	sdelay $0x7  }
0x5a: {  	v4 =	vld.idx.msk [tilespmem:v4+s11+$0x0], $0xffff;
	_ =	sdelay $0x4  }
0x5b: {  	[tilespmem:s21+$0xA0B0] =	vst v4  }
0x5c: {  	v5 =	vld [tilespmem:s20+$0xFFFFFFD0];
	_ =	sdelay $0x7  }
0x5d: {  	v5 =	vld.idx.msk [tilespmem:v5+s11+$0x0], $0xffff;
	_ =	sdelay $0x4  }
0x5e: {  	[tilespmem:s21+$0xA0C0] =	vst v5  }
0x5f: {  	v6 =	vld [tilespmem:s20+$0xFFFFFFE0];
	_ =	sdelay $0x7  }
0x60: {  	v6 =	vld.idx.msk [tilespmem:v6+s11+$0x0], $0xffff;
	_ =	sdelay $0x4  }
0x61: {  	[tilespmem:s21+$0xA0D0] =	vst v6  }
0x62: {  	v7 =	vld [tilespmem:s20+$0xFFFFFFF0];
	_ =	sdelay $0x6  }
0x63: {  	v8 =	vld [tilespmem:s21+$0x12080]  }
0x64: {  	v7 =	vld.idx.msk [tilespmem:v7+s11+$0x0], $0xffff;
	_ =	sdelay $0x1  }
0x65: {  	v9 =	vld [tilespmem:s21+$0x12090];
	_ =	sdelay $0x1  }
0x66: {  	v10 =	vld [tilespmem:s21+$0x120A0]  }
0x67: {  	v11 =	vld [tilespmem:s21+$0x120B0];
	v1 =	vsub.f32 v1, v8;
	[tilespmem:s21+$0xA0E0] =	vst v7  }
0x68: {  	v59 =	vld [tilespmem:s20+$0x0]  }
0x69: {  	v1 =	vmul.f32 v1, v1;
	v2 =	vsub.f32 v2, v9  }
0x6a: {  	v60 =	vld [tilespmem:s21+$0x120C0]  }
0x6b: {  	v0 =	vadd.f32 v1, v0;
	v1 =	vmul.f32 v2, v2;
	v2 =	vsub.f32 v3, v10  }
0x6c: {  	v3 =	vld [tilespmem:s21+$0x120D0]  }
0x6d: {  	v0 =	vadd.f32 v1, v0;
	v1 =	vmul.f32 v2, v2;
	v2 =	vsub.f32 v4, v11  }
0x6e: {  	v61 =	vld [tilespmem:s21+$0x120E0]  }
0x6f: {  	v63 =	vld [tilespmem:s21+$0x120F0];
	v0 =	vadd.f32 v1, v0;
	v1 =	vmul.f32 v2, v2;
	v2 =	vsub.f32 v5, v60  }
0x70: {  	v62 =	vld.idx.msk [tilespmem:v59+s11+$0x0], $0xffff  }
0x71: {  	v0 =	vadd.f32 v1, v0;
	v2 =	vmul.f32 v2, v2;
	v1 =	vsub.f32 v6, v3;
	_ =	sdelay $0x1  }
0x72: {  	v0 =	vadd.f32 v2, v0;
	v1 =	vmul.f32 v1, v1;
	v2 =	vsub.f32 v7, v61  }
0x73: {  	p0 =	sne.s32 s19, $0x1F000  }
.Ltmp2:
0x74: {  	v0 =	vadd.f32 v1, v0;
	v1 =	vmul.f32 v2, v2;
	v2 =	vsub.f32 v62, v63;
	(pc) =	sbr.rel @p0 .LBB2_6-.Ltmp2, $3  }
0x75: {  	_ = 	snop  }
0x76: {  	v0 =	vadd.f32 v1, v0;
	v1 =	vmul.f32 v2, v2;
	_ =	sdelay $0x1  }
0x77: {  	s19 =	sadd.s32 $0x1000, s19;
	s20 =	sadd.s32 $0x80, s20;
	[tilespmem:s21+$0xA0F0] =	vst v62;
	v0 =	vadd.f32 v1, v0  }
0x78: {  	s19 =	simm.s32 $0x0;
	s20 =	simm.s32 $0x2070;
	s21 =	simm.s32 $0x0  }
.LBB2_8:
0x79: {  	v1 =	vld [tilespmem:s20+$0xFFFFFF90];
	_ =	sdelay $0x7  }
0x7a: {  	v1 =	vld.idx.msk [tilespmem:v1+s11+$0x0], $0xffff;
	_ =	sdelay $0x3  }
0x7b: {  	s22 =	sshra.s32 s21, $0x2  }
0x7c: {  	[tilespmem:s22+$0xA100] =	vst v1  }
0x7d: {  	v2 =	vld [tilespmem:s20+$0xFFFFFFA0];
	_ =	sdelay $0x7  }
0x7e: {  	v2 =	vld.idx.msk [tilespmem:v2+s11+$0x0], $0xffff;
	_ =	sdelay $0x4  }
0x7f: {  	[tilespmem:s22+$0xA110] =	vst v2  }
0x80: {  	v3 =	vld [tilespmem:s20+$0xFFFFFFB0];
	_ =	sdelay $0x7  }
0x81: {  	v3 =	vld.idx.msk [tilespmem:v3+s11+$0x0], $0xffff;
	_ =	sdelay $0x4  }
0x82: {  	[tilespmem:s22+$0xA120] =	vst v3  }
0x83: {  	v4 =	vld [tilespmem:s20+$0xFFFFFFC0];
	_ =	sdelay $0x7  }
0x84: {  	v4 =	vld.idx.msk [tilespmem:v4+s11+$0x0], $0xffff;
	_ =	sdelay $0x4  }
0x85: {  	[tilespmem:s22+$0xA130] =	vst v4  }
0x86: {  	v5 =	vld [tilespmem:s20+$0xFFFFFFD0];
	_ =	sdelay $0x7  }
0x87: {  	v5 =	vld.idx.msk [tilespmem:v5+s11+$0x0], $0xffff;
	_ =	sdelay $0x4  }
0x88: {  	[tilespmem:s22+$0xA140] =	vst v5  }
0x89: {  	v6 =	vld [tilespmem:s20+$0xFFFFFFE0];
	_ =	sdelay $0x7  }
0x8a: {  	v6 =	vld.idx.msk [tilespmem:v6+s11+$0x0], $0xffff;
	_ =	sdelay $0x4  }
0x8b: {  	[tilespmem:s22+$0xA150] =	vst v6  }
0x8c: {  	v7 =	vld [tilespmem:s20+$0xFFFFFFF0];
	_ =	sdelay $0x6  }
0x8d: {  	v8 =	vld [tilespmem:s22+$0x12100]  }
0x8e: {  	v7 =	vld.idx.msk [tilespmem:v7+s11+$0x0], $0xffff;
	_ =	sdelay $0x1  }
0x8f: {  	v9 =	vld [tilespmem:s22+$0x12110];
	_ =	sdelay $0x1  }
0x90: {  	v10 =	vld [tilespmem:s22+$0x12120]  }
0x91: {  	v11 =	vld [tilespmem:s22+$0x12130];
	v1 =	vsub.f32 v1, v8;
	[tilespmem:s22+$0xA160] =	vst v7  }
0x92: {  	v59 =	vld [tilespmem:s20+$0x0]  }
0x93: {  	v1 =	vmul.f32 v1, v1;
	v2 =	vsub.f32 v2, v9  }
0x94: {  	v60 =	vld [tilespmem:s22+$0x12140]  }
0x95: {  	v0 =	vadd.f32 v1, v0;
	v1 =	vmul.f32 v2, v2;
	v2 =	vsub.f32 v3, v10  }
0x96: {  	v3 =	vld [tilespmem:s22+$0x12150]  }
0x97: {  	v0 =	vadd.f32 v1, v0;
	v1 =	vmul.f32 v2, v2;
	v2 =	vsub.f32 v4, v11  }
0x98: {  	v61 =	vld [tilespmem:s22+$0x12160]  }
0x99: {  	v63 =	vld [tilespmem:s22+$0x12170];
	v0 =	vadd.f32 v1, v0;
	v1 =	vmul.f32 v2, v2;
	v2 =	vsub.f32 v5, v60  }
0x9a: {  	v62 =	vld.idx.msk [tilespmem:v59+s11+$0x0], $0xffff  }
0x9b: {  	v0 =	vadd.f32 v1, v0;
	v2 =	vmul.f32 v2, v2;
	v1 =	vsub.f32 v6, v3;
	_ =	sdelay $0x1  }
0x9c: {  	v0 =	vadd.f32 v2, v0;
	v1 =	vmul.f32 v1, v1;
	v2 =	vsub.f32 v7, v61  }
0x9d: {  	p0 =	sne.s32 s21, $0x1F000  }
.Ltmp3:
0x9e: {  	v0 =	vadd.f32 v1, v0;
	v1 =	vmul.f32 v2, v2;
	v2 =	vsub.f32 v62, v63;
	(pc) =	sbr.rel @p0 .LBB2_8-.Ltmp3, $3  }
0x9f: {  	_ = 	snop  }
0xa0: {  	v0 =	vadd.f32 v1, v0;
	v1 =	vmul.f32 v2, v2;
	_ =	sdelay $0x1  }
0xa1: {  	s21 =	sadd.s32 $0x1000, s21;
	s20 =	sadd.s32 $0x80, s20;
	[tilespmem:s22+$0xA170] =	vst v62;
	v0 =	vadd.f32 v1, v0  }
0xa2: {  	s20 =	simm.s32 $0x3070  }
.LBB2_10:
0xa3: {  	v1 =	vld [tilespmem:s20+$0xFFFFFF90];
	_ =	sdelay $0x7  }
0xa4: {  	v1 =	vld.idx.msk [tilespmem:v1+s11+$0x0], $0xffff;
	_ =	sdelay $0x3  }
0xa5: {  	s21 =	sshra.s32 s19, $0x2  }
0xa6: {  	[tilespmem:s21+$0xA180] =	vst v1  }
0xa7: {  	v2 =	vld [tilespmem:s20+$0xFFFFFFA0];
	_ =	sdelay $0x7  }
0xa8: {  	v2 =	vld.idx.msk [tilespmem:v2+s11+$0x0], $0xffff;
	_ =	sdelay $0x4  }
0xa9: {  	[tilespmem:s21+$0xA190] =	vst v2  }
0xaa: {  	v3 =	vld [tilespmem:s20+$0xFFFFFFB0];
	_ =	sdelay $0x7  }
0xab: {  	v3 =	vld.idx.msk [tilespmem:v3+s11+$0x0], $0xffff;
	_ =	sdelay $0x4  }
0xac: {  	[tilespmem:s21+$0xA1A0] =	vst v3  }
0xad: {  	v4 =	vld [tilespmem:s20+$0xFFFFFFC0];
	_ =	sdelay $0x7  }
0xae: {  	v4 =	vld.idx.msk [tilespmem:v4+s11+$0x0], $0xffff;
	_ =	sdelay $0x4  }
0xaf: {  	[tilespmem:s21+$0xA1B0] =	vst v4  }
0xb0: {  	v5 =	vld [tilespmem:s20+$0xFFFFFFD0];
	_ =	sdelay $0x7  }
0xb1: {  	v5 =	vld.idx.msk [tilespmem:v5+s11+$0x0], $0xffff;
	_ =	sdelay $0x4  }
0xb2: {  	[tilespmem:s21+$0xA1C0] =	vst v5  }
0xb3: {  	v6 =	vld [tilespmem:s20+$0xFFFFFFE0];
	_ =	sdelay $0x7  }
0xb4: {  	v6 =	vld.idx.msk [tilespmem:v6+s11+$0x0], $0xffff;
	_ =	sdelay $0x4  }
0xb5: {  	[tilespmem:s21+$0xA1D0] =	vst v6  }
0xb6: {  	v7 =	vld [tilespmem:s20+$0xFFFFFFF0];
	_ =	sdelay $0x6  }
0xb7: {  	v8 =	vld [tilespmem:s21+$0x12180]  }
0xb8: {  	v7 =	vld.idx.msk [tilespmem:v7+s11+$0x0], $0xffff;
	_ =	sdelay $0x1  }
0xb9: {  	v9 =	vld [tilespmem:s21+$0x12190];
	_ =	sdelay $0x1  }
0xba: {  	v10 =	vld [tilespmem:s21+$0x121A0]  }
0xbb: {  	v11 =	vld [tilespmem:s21+$0x121B0];
	v1 =	vsub.f32 v1, v8;
	[tilespmem:s21+$0xA1E0] =	vst v7  }
0xbc: {  	v59 =	vld [tilespmem:s20+$0x0]  }
0xbd: {  	v1 =	vmul.f32 v1, v1;
	v2 =	vsub.f32 v2, v9  }
0xbe: {  	v60 =	vld [tilespmem:s21+$0x121C0]  }
0xbf: {  	v0 =	vadd.f32 v1, v0;
	v1 =	vmul.f32 v2, v2;
	v2 =	vsub.f32 v3, v10  }
0xc0: {  	v3 =	vld [tilespmem:s21+$0x121D0]  }
0xc1: {  	v0 =	vadd.f32 v1, v0;
	v1 =	vmul.f32 v2, v2;
	v2 =	vsub.f32 v4, v11  }
0xc2: {  	v61 =	vld [tilespmem:s21+$0x121E0]  }
0xc3: {  	v63 =	vld [tilespmem:s21+$0x121F0];
	v0 =	vadd.f32 v1, v0;
	v1 =	vmul.f32 v2, v2;
	v2 =	vsub.f32 v5, v60  }
0xc4: {  	v62 =	vld.idx.msk [tilespmem:v59+s11+$0x0], $0xffff  }
0xc5: {  	v0 =	vadd.f32 v1, v0;
	v2 =	vmul.f32 v2, v2;
	v1 =	vsub.f32 v6, v3;
	_ =	sdelay $0x1  }
0xc6: {  	v0 =	vadd.f32 v2, v0;
	v1 =	vmul.f32 v1, v1;
	v2 =	vsub.f32 v7, v61  }
0xc7: {  	p0 =	sne.s32 s19, $0x1F000  }
.Ltmp4:
0xc8: {  	v0 =	vadd.f32 v1, v0;
	v1 =	vmul.f32 v2, v2;
	v2 =	vsub.f32 v62, v63;
	(pc) =	sbr.rel @p0 .LBB2_10-.Ltmp4, $3  }
0xc9: {  	_ = 	snop  }
0xca: {  	v0 =	vadd.f32 v1, v0;
	v1 =	vmul.f32 v2, v2;
	_ =	sdelay $0x1  }
0xcb: {  	s19 =	sadd.s32 $0x1000, s19;
	s20 =	sadd.s32 $0x80, s20;
	[tilespmem:s21+$0xA1F0] =	vst v62;
	v0 =	vadd.f32 v1, v0  }
0xcc: {  	s19 =	simm.s32 $0x0  }
0xcd: {  	s20 =	simm.s32 $0x12270;
	s21 =	simm.s32 $0xA270;
	s22 =	simm.s32 $0x0  }
.LBB2_12:
0xce: {  	s23 =	sshra.s32 s22, $0x2  }
0xcf: {  	v1 =	vld [tilespmem:s23+$0x4000];
	_ =	sdelay $0x7  }
0xd0: {  	v1 =	vld.idx.msk [tilespmem:v1+s11+$0x0], $0xffff;
	_ =	sdelay $0x4  }
0xd1: {  	[tilespmem:s21+$0xFFFFFF90] =	vst v1  }
0xd2: {  	v2 =	vld [tilespmem:s23+$0x4010];
	_ =	sdelay $0x7  }
0xd3: {  	v2 =	vld.idx.msk [tilespmem:v2+s11+$0x0], $0xffff;
	_ =	sdelay $0x4  }
0xd4: {  	v3 =	vld [tilespmem:s20+$0xFFFFFF90];
	[tilespmem:s21+$0xFFFFFFA0] =	vst v2  }
0xd5: {  	v4 =	vld [tilespmem:s23+$0x4020];
	_ =	sdelay $0x7  }
0xd6: {  	v4 =	vld.idx.msk [tilespmem:v4+s11+$0x0], $0xffff;
	_ =	sdelay $0x4  }
0xd7: {  	v5 =	vld [tilespmem:s20+$0xFFFFFFA0];
	[tilespmem:s21+$0xFFFFFFB0] =	vst v4  }
0xd8: {  	v6 =	vld [tilespmem:s23+$0x4030];
	_ =	sdelay $0x7  }
0xd9: {  	v6 =	vld.idx.msk [tilespmem:v6+s11+$0x0], $0xffff;
	_ =	sdelay $0x4  }
0xda: {  	v7 =	vld [tilespmem:s20+$0xFFFFFFB0];
	[tilespmem:s21+$0xFFFFFFC0] =	vst v6  }
0xdb: {  	v8 =	vld [tilespmem:s23+$0x4040];
	_ =	sdelay $0x7  }
0xdc: {  	v8 =	vld.idx.msk [tilespmem:v8+s11+$0x0], $0xffff;
	_ =	sdelay $0x4  }
0xdd: {  	v9 =	vld [tilespmem:s20+$0xFFFFFFC0];
	[tilespmem:s21+$0xFFFFFFD0] =	vst v8  }
0xde: {  	v10 =	vld [tilespmem:s23+$0x4050];
	_ =	sdelay $0x7  }
0xdf: {  	v10 =	vld.idx.msk [tilespmem:v10+s11+$0x0], $0xffff;
	_ =	sdelay $0x4  }
0xe0: {  	v11 =	vld [tilespmem:s20+$0xFFFFFFD0];
	[tilespmem:s21+$0xFFFFFFE0] =	vst v10  }
0xe1: {  	v12 =	vld [tilespmem:s23+$0x4060];
	_ =	sdelay $0x7  }
0xe2: {  	v12 =	vld.idx.msk [tilespmem:v12+s11+$0x0], $0xffff;
	_ =	sdelay $0x4  }
0xe3: {  	v13 =	vld [tilespmem:s20+$0xFFFFFFE0];
	[tilespmem:s21+$0xFFFFFFF0] =	vst v12  }
0xe4: {  	v14 =	vld [tilespmem:s23+$0x4070];
	_ =	sdelay $0x4  }
0xe5: {  	v1 =	vsub.f32 v1, v3;
	_ =	sdelay $0x1  }
0xe6: {  	v1 =	vmul.f32 v1, v1;
	v2 =	vsub.f32 v2, v5  }
0xe7: {  	v3 =	vld.idx.msk [tilespmem:v14+s11+$0x0], $0xffff  }
0xe8: {  	v0 =	vadd.f32 v1, v0;
	v2 =	vmul.f32 v2, v2;
	v1 =	vsub.f32 v4, v7;
	_ =	sdelay $0x1  }
0xe9: {  	v0 =	vadd.f32 v2, v0;
	v1 =	vmul.f32 v1, v1;
	v2 =	vsub.f32 v6, v9  }
0xea: {  	v62 =	vld [tilespmem:s20+$0xFFFFFFF0]  }
0xeb: {  	v0 =	vadd.f32 v1, v0;
	v1 =	vmul.f32 v2, v2;
	v2 =	vsub.f32 v8, v11;
	[tilespmem:s21+$0x0] =	vst v3  }
0xec: {  	v63 =	vld [tilespmem:s20+$0x0]  }
0xed: {  	v0 =	vadd.f32 v1, v0;
	v2 =	vmul.f32 v2, v2;
	v1 =	vsub.f32 v10, v13;
	_ =	sdelay $0x1  }
0xee: {  	v0 =	vadd.f32 v2, v0;
	v1 =	vmul.f32 v1, v1;
	v2 =	vsub.f32 v12, v62  }
0xef: {  	p0 =	sne.s32 s22, $0x3E00  }
.Ltmp5:
0xf0: {  	v0 =	vadd.f32 v1, v0;
	v2 =	vmul.f32 v2, v2;
	v1 =	vsub.f32 v3, v63;
	(pc) =	sbr.rel @p0 .LBB2_12-.Ltmp5, $3  }
0xf1: {  	_ = 	snop  }
0xf2: {  	v0 =	vadd.f32 v2, v0;
	v1 =	vmul.f32 v1, v1;
	_ =	sdelay $0x1  }
0xf3: {  	s22 =	sadd.s32 $0x200, s22;
	s21 =	sadd.s32 $0x400, s21;
	s20 =	sadd.s32 $0x400, s20;
	v0 =	vadd.f32 v1, v0  }
0xf4: {  	s20 =	simm.s32 $0x122F0;
	s21 =	simm.s32 $0xA2F0  }
.LBB2_14:
0xf5: {  	s22 =	sshra.s32 s19, $0x2  }
0xf6: {  	v1 =	vld [tilespmem:s22+$0x5000];
	_ =	sdelay $0x7  }
0xf7: {  	v1 =	vld.idx.msk [tilespmem:v1+s11+$0x0], $0xffff;
	_ =	sdelay $0x4  }
0xf8: {  	[tilespmem:s21+$0xFFFFFF90] =	vst v1  }
0xf9: {  	v2 =	vld [tilespmem:s22+$0x5010];
	_ =	sdelay $0x7  }
0xfa: {  	v2 =	vld.idx.msk [tilespmem:v2+s11+$0x0], $0xffff;
	_ =	sdelay $0x4  }
0xfb: {  	v3 =	vld [tilespmem:s20+$0xFFFFFF90];
	[tilespmem:s21+$0xFFFFFFA0] =	vst v2  }
0xfc: {  	v4 =	vld [tilespmem:s22+$0x5020];
	_ =	sdelay $0x7  }
0xfd: {  	v4 =	vld.idx.msk [tilespmem:v4+s11+$0x0], $0xffff;
	_ =	sdelay $0x4  }
0xfe: {  	v5 =	vld [tilespmem:s20+$0xFFFFFFA0];
	[tilespmem:s21+$0xFFFFFFB0] =	vst v4  }
0xff: {  	v6 =	vld [tilespmem:s22+$0x5030];
	_ =	sdelay $0x7  }
0x100: {  	v6 =	vld.idx.msk [tilespmem:v6+s11+$0x0], $0xffff;
	_ =	sdelay $0x4  }
0x101: {  	v7 =	vld [tilespmem:s20+$0xFFFFFFB0];
	[tilespmem:s21+$0xFFFFFFC0] =	vst v6  }
0x102: {  	v8 =	vld [tilespmem:s22+$0x5040];
	_ =	sdelay $0x7  }
0x103: {  	v8 =	vld.idx.msk [tilespmem:v8+s11+$0x0], $0xffff;
	_ =	sdelay $0x4  }
0x104: {  	v9 =	vld [tilespmem:s20+$0xFFFFFFC0];
	[tilespmem:s21+$0xFFFFFFD0] =	vst v8  }
0x105: {  	v10 =	vld [tilespmem:s22+$0x5050];
	_ =	sdelay $0x7  }
0x106: {  	v10 =	vld.idx.msk [tilespmem:v10+s11+$0x0], $0xffff;
	_ =	sdelay $0x4  }
0x107: {  	v11 =	vld [tilespmem:s20+$0xFFFFFFD0];
	[tilespmem:s21+$0xFFFFFFE0] =	vst v10  }
0x108: {  	v12 =	vld [tilespmem:s22+$0x5060];
	_ =	sdelay $0x7  }
0x109: {  	v12 =	vld.idx.msk [tilespmem:v12+s11+$0x0], $0xffff;
	_ =	sdelay $0x4  }
0x10a: {  	v13 =	vld [tilespmem:s20+$0xFFFFFFE0];
	[tilespmem:s21+$0xFFFFFFF0] =	vst v12  }
0x10b: {  	v14 =	vld [tilespmem:s22+$0x5070];
	_ =	sdelay $0x4  }
0x10c: {  	v1 =	vsub.f32 v1, v3;
	_ =	sdelay $0x1  }
0x10d: {  	v1 =	vmul.f32 v1, v1;
	v2 =	vsub.f32 v2, v5  }
0x10e: {  	v3 =	vld.idx.msk [tilespmem:v14+s11+$0x0], $0xffff  }
0x10f: {  	v0 =	vadd.f32 v1, v0;
	v2 =	vmul.f32 v2, v2;
	v1 =	vsub.f32 v4, v7;
	_ =	sdelay $0x1  }
0x110: {  	v0 =	vadd.f32 v2, v0;
	v1 =	vmul.f32 v1, v1;
	v2 =	vsub.f32 v6, v9  }
0x111: {  	v62 =	vld [tilespmem:s20+$0xFFFFFFF0]  }
0x112: {  	v0 =	vadd.f32 v1, v0;
	v1 =	vmul.f32 v2, v2;
	v2 =	vsub.f32 v8, v11;
	[tilespmem:s21+$0x0] =	vst v3  }
0x113: {  	v63 =	vld [tilespmem:s20+$0x0]  }
0x114: {  	v0 =	vadd.f32 v1, v0;
	v2 =	vmul.f32 v2, v2;
	v1 =	vsub.f32 v10, v13;
	_ =	sdelay $0x1  }
0x115: {  	v0 =	vadd.f32 v2, v0;
	v1 =	vmul.f32 v1, v1;
	v2 =	vsub.f32 v12, v62  }
0x116: {  	p0 =	sne.s32 s19, $0x3E00  }
.Ltmp6:
0x117: {  	v0 =	vadd.f32 v1, v0;
	v2 =	vmul.f32 v2, v2;
	v1 =	vsub.f32 v3, v63;
	(pc) =	sbr.rel @p0 .LBB2_14-.Ltmp6, $3  }
0x118: {  	_ = 	snop  }
0x119: {  	v0 =	vadd.f32 v2, v0;
	v1 =	vmul.f32 v1, v1;
	_ =	sdelay $0x1  }
0x11a: {  	s19 =	sadd.s32 $0x200, s19;
	s21 =	sadd.s32 $0x400, s21;
	s20 =	sadd.s32 $0x400, s20;
	v0 =	vadd.f32 v1, v0  }
0x11b: {  	s19 =	simm.s32 $0x0  }
0x11c: {  	s20 =	simm.s32 $0x12370;
	s21 =	simm.s32 $0xA370;
	s22 =	simm.s32 $0x0  }
.LBB2_16:
0x11d: {  	s23 =	sshra.s32 s22, $0x2  }
0x11e: {  	v1 =	vld [tilespmem:s23+$0x6000];
	_ =	sdelay $0x7  }
0x11f: {  	v1 =	vld.idx.msk [tilespmem:v1+s11+$0x0], $0xffff;
	_ =	sdelay $0x4  }
0x120: {  	[tilespmem:s21+$0xFFFFFF90] =	vst v1  }
0x121: {  	v2 =	vld [tilespmem:s23+$0x6010];
	_ =	sdelay $0x7  }
0x122: {  	v2 =	vld.idx.msk [tilespmem:v2+s11+$0x0], $0xffff;
	_ =	sdelay $0x4  }
0x123: {  	v3 =	vld [tilespmem:s20+$0xFFFFFF90];
	[tilespmem:s21+$0xFFFFFFA0] =	vst v2  }
0x124: {  	v4 =	vld [tilespmem:s23+$0x6020];
	_ =	sdelay $0x7  }
0x125: {  	v4 =	vld.idx.msk [tilespmem:v4+s11+$0x0], $0xffff;
	_ =	sdelay $0x4  }
0x126: {  	v5 =	vld [tilespmem:s20+$0xFFFFFFA0];
	[tilespmem:s21+$0xFFFFFFB0] =	vst v4  }
0x127: {  	v6 =	vld [tilespmem:s23+$0x6030];
	_ =	sdelay $0x7  }
0x128: {  	v6 =	vld.idx.msk [tilespmem:v6+s11+$0x0], $0xffff;
	_ =	sdelay $0x4  }
0x129: {  	v7 =	vld [tilespmem:s20+$0xFFFFFFB0];
	[tilespmem:s21+$0xFFFFFFC0] =	vst v6  }
0x12a: {  	v8 =	vld [tilespmem:s23+$0x6040];
	_ =	sdelay $0x7  }
0x12b: {  	v8 =	vld.idx.msk [tilespmem:v8+s11+$0x0], $0xffff;
	_ =	sdelay $0x4  }
0x12c: {  	v9 =	vld [tilespmem:s20+$0xFFFFFFC0];
	[tilespmem:s21+$0xFFFFFFD0] =	vst v8  }
0x12d: {  	v10 =	vld [tilespmem:s23+$0x6050];
	_ =	sdelay $0x7  }
0x12e: {  	v10 =	vld.idx.msk [tilespmem:v10+s11+$0x0], $0xffff;
	_ =	sdelay $0x4  }
0x12f: {  	v11 =	vld [tilespmem:s20+$0xFFFFFFD0];
	[tilespmem:s21+$0xFFFFFFE0] =	vst v10  }
0x130: {  	v12 =	vld [tilespmem:s23+$0x6060];
	_ =	sdelay $0x7  }
0x131: {  	v12 =	vld.idx.msk [tilespmem:v12+s11+$0x0], $0xffff;
	_ =	sdelay $0x4  }
0x132: {  	v13 =	vld [tilespmem:s20+$0xFFFFFFE0];
	[tilespmem:s21+$0xFFFFFFF0] =	vst v12  }
0x133: {  	v14 =	vld [tilespmem:s23+$0x6070];
	_ =	sdelay $0x4  }
0x134: {  	v1 =	vsub.f32 v1, v3;
	_ =	sdelay $0x1  }
0x135: {  	v1 =	vmul.f32 v1, v1;
	v2 =	vsub.f32 v2, v5  }
0x136: {  	v3 =	vld.idx.msk [tilespmem:v14+s11+$0x0], $0xffff  }
0x137: {  	v0 =	vadd.f32 v1, v0;
	v2 =	vmul.f32 v2, v2;
	v1 =	vsub.f32 v4, v7;
	_ =	sdelay $0x1  }
0x138: {  	v0 =	vadd.f32 v2, v0;
	v1 =	vmul.f32 v1, v1;
	v2 =	vsub.f32 v6, v9  }
0x139: {  	v62 =	vld [tilespmem:s20+$0xFFFFFFF0]  }
0x13a: {  	v0 =	vadd.f32 v1, v0;
	v1 =	vmul.f32 v2, v2;
	v2 =	vsub.f32 v8, v11;
	[tilespmem:s21+$0x0] =	vst v3  }
0x13b: {  	v63 =	vld [tilespmem:s20+$0x0]  }
0x13c: {  	v0 =	vadd.f32 v1, v0;
	v2 =	vmul.f32 v2, v2;
	v1 =	vsub.f32 v10, v13;
	_ =	sdelay $0x1  }
0x13d: {  	v0 =	vadd.f32 v2, v0;
	v1 =	vmul.f32 v1, v1;
	v2 =	vsub.f32 v12, v62  }
0x13e: {  	p0 =	sne.s32 s22, $0x3E00  }
.Ltmp7:
0x13f: {  	v0 =	vadd.f32 v1, v0;
	v2 =	vmul.f32 v2, v2;
	v1 =	vsub.f32 v3, v63;
	(pc) =	sbr.rel @p0 .LBB2_16-.Ltmp7, $3  }
0x140: {  	_ = 	snop  }
0x141: {  	v0 =	vadd.f32 v2, v0;
	v1 =	vmul.f32 v1, v1;
	_ =	sdelay $0x1  }
0x142: {  	s22 =	sadd.s32 $0x200, s22;
	s21 =	sadd.s32 $0x400, s21;
	s20 =	sadd.s32 $0x400, s20;
	v0 =	vadd.f32 v1, v0  }
0x143: {  	s20 =	simm.s32 $0x123F0;
	s21 =	simm.s32 $0xA3F0  }
.LBB2_18:
0x144: {  	s22 =	sshra.s32 s19, $0x2  }
0x145: {  	v1 =	vld [tilespmem:s22+$0x7000];
	_ =	sdelay $0x7  }
0x146: {  	v1 =	vld.idx.msk [tilespmem:v1+s11+$0x0], $0xffff;
	_ =	sdelay $0x4  }
0x147: {  	[tilespmem:s21+$0xFFFFFF90] =	vst v1  }
0x148: {  	v2 =	vld [tilespmem:s22+$0x7010];
	_ =	sdelay $0x7  }
0x149: {  	v2 =	vld.idx.msk [tilespmem:v2+s11+$0x0], $0xffff;
	_ =	sdelay $0x4  }
0x14a: {  	v3 =	vld [tilespmem:s20+$0xFFFFFF90];
	[tilespmem:s21+$0xFFFFFFA0] =	vst v2  }
0x14b: {  	v4 =	vld [tilespmem:s22+$0x7020];
	_ =	sdelay $0x7  }
0x14c: {  	v4 =	vld.idx.msk [tilespmem:v4+s11+$0x0], $0xffff;
	_ =	sdelay $0x4  }
0x14d: {  	v5 =	vld [tilespmem:s20+$0xFFFFFFA0];
	[tilespmem:s21+$0xFFFFFFB0] =	vst v4  }
0x14e: {  	v6 =	vld [tilespmem:s22+$0x7030];
	_ =	sdelay $0x7  }
0x14f: {  	v6 =	vld.idx.msk [tilespmem:v6+s11+$0x0], $0xffff;
	_ =	sdelay $0x4  }
0x150: {  	v7 =	vld [tilespmem:s20+$0xFFFFFFB0];
	[tilespmem:s21+$0xFFFFFFC0] =	vst v6  }
0x151: {  	v8 =	vld [tilespmem:s22+$0x7040];
	_ =	sdelay $0x7  }
0x152: {  	v8 =	vld.idx.msk [tilespmem:v8+s11+$0x0], $0xffff;
	_ =	sdelay $0x4  }
0x153: {  	v9 =	vld [tilespmem:s20+$0xFFFFFFC0];
	[tilespmem:s21+$0xFFFFFFD0] =	vst v8  }
0x154: {  	v10 =	vld [tilespmem:s22+$0x7050];
	_ =	sdelay $0x7  }
0x155: {  	v10 =	vld.idx.msk [tilespmem:v10+s11+$0x0], $0xffff;
	_ =	sdelay $0x4  }
0x156: {  	v11 =	vld [tilespmem:s20+$0xFFFFFFD0];
	[tilespmem:s21+$0xFFFFFFE0] =	vst v10  }
0x157: {  	v12 =	vld [tilespmem:s22+$0x7060];
	_ =	sdelay $0x7  }
0x158: {  	v12 =	vld.idx.msk [tilespmem:v12+s11+$0x0], $0xffff;
	_ =	sdelay $0x4  }
0x159: {  	v13 =	vld [tilespmem:s20+$0xFFFFFFE0];
	[tilespmem:s21+$0xFFFFFFF0] =	vst v12  }
0x15a: {  	v14 =	vld [tilespmem:s22+$0x7070];
	_ =	sdelay $0x4  }
0x15b: {  	v1 =	vsub.f32 v1, v3;
	_ =	sdelay $0x1  }
0x15c: {  	v1 =	vmul.f32 v1, v1;
	v2 =	vsub.f32 v2, v5  }
0x15d: {  	v3 =	vld.idx.msk [tilespmem:v14+s11+$0x0], $0xffff  }
0x15e: {  	v0 =	vadd.f32 v1, v0;
	v2 =	vmul.f32 v2, v2;
	v1 =	vsub.f32 v4, v7;
	_ =	sdelay $0x1  }
0x15f: {  	v0 =	vadd.f32 v2, v0;
	v1 =	vmul.f32 v1, v1;
	v2 =	vsub.f32 v6, v9  }
0x160: {  	v62 =	vld [tilespmem:s20+$0xFFFFFFF0]  }
0x161: {  	v0 =	vadd.f32 v1, v0;
	v1 =	vmul.f32 v2, v2;
	v2 =	vsub.f32 v8, v11;
	[tilespmem:s21+$0x0] =	vst v3  }
0x162: {  	v63 =	vld [tilespmem:s20+$0x0]  }
0x163: {  	v0 =	vadd.f32 v1, v0;
	v2 =	vmul.f32 v2, v2;
	v1 =	vsub.f32 v10, v13;
	_ =	sdelay $0x1  }
0x164: {  	v0 =	vadd.f32 v2, v0;
	v1 =	vmul.f32 v1, v1;
	v2 =	vsub.f32 v12, v62  }
0x165: {  	p0 =	sne.s32 s19, $0x3E00  }
.Ltmp8:
0x166: {  	v0 =	vadd.f32 v1, v0;
	v2 =	vmul.f32 v2, v2;
	v1 =	vsub.f32 v3, v63;
	(pc) =	sbr.rel @p0 .LBB2_18-.Ltmp8, $3  }
0x167: {  	_ = 	snop  }
0x168: {  	v0 =	vadd.f32 v2, v0;
	v1 =	vmul.f32 v1, v1;
	_ =	sdelay $0x1  }
0x169: {  	s19 =	sadd.s32 $0x200, s19;
	s21 =	sadd.s32 $0x400, s21;
	s20 =	sadd.s32 $0x400, s20;
	v0 =	vadd.f32 v1, v0  }
0x16a: {  	s19 =	simm.s32 $0xA000  }
0x16b: {  	s20 =	simm.s32 $0x80;
	s22 =	sadd.s32 $0x0, s6;
	s21 =	simm.s32 $0xA400;
	[tilespmem:$0x1A000] =	vst v0  }
.LBB2_20:
0x16c: {  	[hbm4b:s22+s9] =	stream.strided.scatter [tilespmem:s19], [sflag:$0x4], $0x400, s12, s9, $0x38;
	[tilespmem:$0x1A080] =	vst v63  }
0x16d: {  	s22 =	smov.u32 s20;
	s19 =	smov.u32 s21;
	p0 =	sne.s32 s20, $0xF80  }
.Ltmp9:
0x16e: {  	s20 =	sadd.s32 $0x80, s20;
	(pc) =	sbr.rel @p0 .LBB2_20-.Ltmp9, $2  }
0x16f: {  	_ =	sdelay $0x2  }
0x170: {  	s21 =	sadd.s32 $0x400, s21;
	s22 =	sadd.s32 s22, s6  }
0x171: {  	[hbm4b:s22+s9] =	stream.strided.scatter [tilespmem:s19], [sflag:$0x4], $0x400, s12, s9, $0x38;
	[tilespmem:$0x1A080] =	vst v63  }
0x172: {  	s18 =	sadd.s32 $0x1, s18;
	_ =	swait.ge [sflag:s16], $0x8000  }
0x173: {  	p0 =	sne.s32 s18, s8;
	[sflag:s16] =	ssyncset.done $0x0  }
.Ltmp10:
0x174: {  	[sflag:s16] =	ssyncadd.s32 $0xFFFF8000;
	(pc) =	sbr.rel @p0 .LBB2_1-.Ltmp10, $4  }
0x175: {  	[hbm4b:s7+s2] =	stream.linear.scatter [tilespmem:s17], [sflag:$0x4], $0x80, $0x38;
	[tilespmem:$0x1A080] =	vst v63  }
0x176: {  	_ =	swait.ge [sflag:s16], $0x80  }
0x177: {  	[sflag:s16] =	ssyncset.done $0x0  }
0x178: {  	[sflag:s16] =	ssyncadd.s32 $0xFFFFFF80  }
0x179: {  	_ =	sfence.sel $0x180000  }
0x17a: {  	[bflag:$0x0] =	sbarrier.arrive $0xFFFF  }
0x17b: {  	p0 =	sne.s32 s1, $0x0;
	_ =	strace $0x90000047  }
0x17c: {  	s0 =	sadd.s32 @!p0 $0x100000, s0;
	[bflag:$0x2] =	sbarrier.arrive $0xFFFF  }
0x17d: {  	[sflag:s0] =	ssyncadd.tile.s32 @!p0 $0x1;
	_ =	shalt  }
.Lfunc_end2:
_tile_overlayer_lowered:
.L_overlay_start_2:
0x17e: {  	(tag) =	ssettag $0x2  }
0x17f: {  	s0 =	rddreg [dreg:$0x0];
	s2 =	stileid.u32  }
0x180: {  	s1 =	rddreg [dreg:$0x1];
	p0 =	sne.s32 s2, $0x0  }
0x181: {  	s3 =	rddreg [dreg:$0x2];
	[bflag:$0x3] =	sbarrier.arrive $0xFFFF;
	s2 =	simm.s32 @!p0 $0x1C04  }
0x182: {  	[timem:s3], [sflag:s2] =	dma.local @!p0 [hbm:s0], s1  }
0x183: {  	s0 =	simm.s32 @!p0 $0x4  }
0x184: {  	_ =	swait.ge @!p0 [sflag:s0], s1  }
0x185: {  	s1 =	ssub.s32 @!p0 $0x0, s1;
	[sflag:s0] =	ssyncset.done @!p0 $0x0  }
0x186: {  	[sflag:s0] =	ssyncadd.s32 @!p0 s1  }
0x187: {  	[bflag:$0x3] =	sbarrier.arrive $0xFFFF  }
0x188: {  	_ =	shalt  }

</sc_bundles>
